<compile_context>
chip_gen: v7x
topology: tpu7x:2x2x1
jax: 0.10.2.dev20260603
libtpu: 0.0.44.dev20260713+nightly
codegen_flags: <defaults>
</compile_context>

<pallas_src>
import functools

import numpy as np

import jax
import jax.numpy as jnp
from jax import lax
from jax.experimental import pallas as pl
from jax.experimental.pallas import tpu as pltpu
from jax.experimental.pallas import tpu_sc as plsc

VOCAB = 100000
DIM = 128
BATCH = 4096
SEQ = 50

NC = 2
NS = 16
NW = NC * NS
B_PER_W = BATCH // NW
CHUNK = 8
ROWS = CHUNK * SEQ
NCHUNK = B_PER_W // CHUNK
DEPTH = 2
SC_ROWS = BATCH // NC

PARTS = ((0, 128), (128, 128), (256, 128), (384, 16))
NPART = len(PARTS)


def _seg_indices():
    local = np.arange(ROWS) // SEQ
    a = np.empty((NCHUNK * 3, 128), np.int32)
    b = np.empty((NCHUNK, 16), np.int32)
    for c in range(NCHUNK):
        seg = c * CHUNK + local
        for j in range(3):
            a[3 * c + j] = seg[128 * j:128 * (j + 1)]
        b[c] = seg[384:400]
    return jnp.asarray(a), jnp.asarray(b)


def _sc_gather_sum(idx_flat, table):
    mesh = plsc.VectorSubcoreMesh(core_axis_name="c", subcore_axis_name="s")
    idx_a, idx_b = _seg_indices()

    @functools.partial(
        pl.kernel,
        mesh=mesh,
        out_type=jax.ShapeDtypeStruct((BATCH, DIM), jnp.float32),
        scratch_types=[
            pltpu.VMEM((B_PER_W * SEQ,), jnp.int32),
            pltpu.VMEM((NCHUNK * 3, 128), jnp.int32),
            pltpu.VMEM((NCHUNK, 16), jnp.int32),
            *[pltpu.VMEM((ROWS, DIM), jnp.float32) for _ in range(DEPTH)],
            pltpu.VMEM_SHARED((B_PER_W, DIM), jnp.float32),
            *[pltpu.SemaphoreType.DMA for _ in range(2 * DEPTH)],
        ],
    )
    def k(idx_hbm, table_hbm, ia_hbm, ib_hbm, out_hbm,
          idx_v, ia_v, ib_v, *rest):
        bufs = rest[:DEPTH]
        shared = rest[DEPTH]
        gsems = rest[DEPTH + 1:DEPTH + 1 + DEPTH]
        ssems = rest[DEPTH + 1 + DEPTH:DEPTH + 1 + 2 * DEPTH]

        sid = lax.axis_index("s")
        wid = sid * NC + lax.axis_index("c")
        ibase = wid * (B_PER_W * SEQ)

        pltpu.sync_copy(idx_hbm.at[pl.ds(ibase, B_PER_W * SEQ)], idx_v)

        def issue(c, buf, sem):
            off = pl.multiple_of(c * ROWS, 8)
            for lo, sz in PARTS:
                pltpu.async_copy(
                    table_hbm.at[idx_v.at[pl.ds(off + lo, sz)]],
                    buf.at[pl.ds(lo, sz)], sem)

        def drain_gather(buf, sem):
            for lo, sz in PARTS:
                pltpu.make_async_copy(
                    table_hbm.at[idx_v.at[pl.ds(lo, sz)]],
                    buf.at[pl.ds(lo, sz)], sem).wait()

        issue(0, bufs[0], gsems[0])

        pltpu.sync_copy(ia_hbm, ia_v)
        pltpu.sync_copy(ib_hbm, ib_v)

        def zero_body(r, _):
            for v in range(DIM // 16):
                bufs[1][r, pl.ds(16 * v, 16)] = jnp.zeros((16,), jnp.float32)
            return 0
        lax.fori_loop(0, B_PER_W, zero_body, 0)
        pltpu.sync_copy(bufs[1].at[pl.ds(0, B_PER_W)], shared)

        def scatter(c, buf, sem):
            for p, (lo, sz) in enumerate(PARTS):
                if sz == 128:
                    irow = ia_v.at[3 * c + p]
                else:
                    irow = ib_v.at[c]
                pltpu.async_copy(
                    buf.at[pl.ds(lo, sz)],
                    shared.at[irow], sem, add=True)

        def drain_scatter(buf, sem):
            for p, (lo, sz) in enumerate(PARTS):
                if sz == 128:
                    irow = ia_v.at[0]
                else:
                    irow = ib_v.at[0]
                pltpu.make_async_copy(
                    buf.at[pl.ds(lo, sz)],
                    shared.at[irow], sem).wait()

        def ring_body(i, carry):
            for j in range(DEPTH):
                c = i * DEPTH + j
                nj = (j + 1) % DEPTH

                @pl.when(c >= 1)
                def _(nj=nj):
                    drain_scatter(bufs[nj], ssems[nj])

                @pl.when(c + 1 < NCHUNK)
                def _(c=c, nj=nj):
                    issue(c + 1, bufs[nj], gsems[nj])

                drain_gather(bufs[j], gsems[j])
                scatter(c, bufs[j], ssems[j])
            return carry

        lax.fori_loop(0, NCHUNK // DEPTH, ring_body, 0)
        lj = (NCHUNK - 1) % DEPTH
        drain_scatter(bufs[lj], ssems[lj])

        obase = pl.multiple_of(wid * B_PER_W, 8)
        pltpu.sync_copy(shared, out_hbm.at[pl.ds(obase, B_PER_W)])

    return k(idx_flat, table, idx_a, idx_b)


def _mlp_body(s_ref, w1_ref, b1_ref, w2_ref, b2_ref, w3_ref, b3_ref, o_ref):
    dn = (((1,), (1,)), ((), ()))
    x = s_ref[...] * (1.0 / SEQ)
    h = jnp.tanh(lax.dot_general(x, w1_ref[...], dn,
                                 preferred_element_type=jnp.float32)
                 + b1_ref[...])
    h = jnp.tanh(lax.dot_general(h, w2_ref[...], dn,
                                 preferred_element_type=jnp.float32)
                 + b2_ref[...])
    z = jnp.tanh(lax.dot_general(h, w3_ref[...], dn,
                                 preferred_element_type=jnp.float32)
                 + b3_ref[...])
    a = z[:, 0:1]
    b = z[:, 1:2]
    lse = jnp.logaddexp(a, b)
    o_ref[...] = jnp.concatenate([a - lse, b - lse], axis=1)


def _tc_mlp(sums, w1, b1, w2, b2, w3, b3):
    blk = 2048
    grid = BATCH // blk
    return pl.pallas_call(
        _mlp_body,
        grid=(grid,),
        in_specs=[
            pl.BlockSpec((blk, DIM), lambda i: (i, 0)),
            pl.BlockSpec(w1.shape, lambda i: (0, 0)),
            pl.BlockSpec(b1.shape, lambda i: (0, 0)),
            pl.BlockSpec(w2.shape, lambda i: (0, 0)),
            pl.BlockSpec(b2.shape, lambda i: (0, 0)),
            pl.BlockSpec(w3.shape, lambda i: (0, 0)),
            pl.BlockSpec(b3.shape, lambda i: (0, 0)),
        ],
        out_specs=pl.BlockSpec((blk, 2), lambda i: (i, 0)),
        out_shape=jax.ShapeDtypeStruct((BATCH, 2), jnp.float32),
    )(sums, w1, b1, w2, b2, w3, b3)


def kernel(input, emb_weight, out_w, out_b, out1_w, out1_b, out2_w, out2_b):
    sums = _sc_gather_sum(input.reshape(-1), emb_weight)
    return _tc_mlp(sums,
                   out_w, out_b.reshape(1, -1),
                   out1_w, out1_b.reshape(1, -1),
                   out2_w, out2_b.reshape(1, -1))

# --- scband reference (transcript-rebuilt; emitter-appended) ---
"""Pipeline reference for scband-bow-model-89034672046440 (READ-ONLY COPY).

The authoritative reference and input builder live on the scoring server;
editing this copy changes nothing except your own understanding.
"""

import jax, jax.numpy as jnp
import numpy as np

VOCAB = 100000
DIM = 128
BATCH = 4096
SEQ = 50


def setup_inputs(seed: int = 0) -> dict:
    key = jax.random.key(seed)
    k0, k1, k2, k3, k4, k5, k6, k7 = jax.random.split(key, 8)
    inp = jax.random.randint(k0, (BATCH, SEQ), 0, VOCAB, dtype=jnp.int32)
    emb_weight = jax.random.normal(k1, (VOCAB, DIM), dtype=jnp.float32)
    # padding_idx=0 row is overwritten by emb_tensor in the original module, so no zeroing needed
    out_w = jax.random.normal(k2, (25, DIM), dtype=jnp.float32) * 0.02
    out_b = jnp.zeros((25,), dtype=jnp.float32)
    out1_w = jax.random.normal(k3, (25, 25), dtype=jnp.float32) * 0.02
    out1_b = jnp.zeros((25,), dtype=jnp.float32)
    out2_w = jax.random.normal(k4, (2, 25), dtype=jnp.float32) * 0.02
    out2_b = jnp.zeros((2,), dtype=jnp.float32)
    return {
        "input": inp,
        "emb_weight": emb_weight,
        "out_w": out_w, "out_b": out_b,
        "out1_w": out1_w, "out1_b": out1_b,
        "out2_w": out2_w, "out2_b": out2_b,
    }


def reference(input, emb_weight, out_w, out_b, out1_w, out1_b, out2_w, out2_b):
    # embedding lookup (gather)
    embedded = jnp.take(emb_weight, input, axis=0)  # [B, S, D]
    # note: original code assigns embedded[:, 0] then immediately overwrites with mean
    bow = embedded.mean(axis=1)  # [B, D]
    bow = jnp.tanh(bow @ out_w.T + out_b)
    bow = jnp.tanh(bow @ out1_w.T + out1_b)
    bow = jnp.tanh(bow @ out2_w.T + out2_b)
    return jax.nn.log_softmax(bow, axis=-1)

if __name__ == "__main__":
    import jax
    _d = setup_inputs()
    print(jax.jit(kernel)(*tuple(_d.values())))

</pallas_src>

<mosaic_0001>
#map = affine_map<(d0, d1) -> (0)>
#map1 = affine_map<(d0, d1) -> (0, 0)>
module attributes {stable_mosaic.version = 14 : i64} {
  func.func @k(%arg0: i32, %arg1: i32, %arg2: memref<204800xi32, #tpu.memory_space<hbm>>, %arg3: memref<100000x128xf32, #tpu.memory_space<hbm>>, %arg4: memref<48x128xi32, #tpu.memory_space<hbm>>, %arg5: memref<16x16xi32, #tpu.memory_space<hbm>>, %arg6: memref<4096x128xf32, #tpu.memory_space<hbm>>, %arg7: memref<6400xi32, #tpu.memory_space<vmem>>, %arg8: memref<48x128xi32, #tpu.memory_space<vmem>>, %arg9: memref<16x16xi32, #tpu.memory_space<vmem>>, %arg10: memref<400x128xf32, #tpu.memory_space<vmem>>, %arg11: memref<400x128xf32, #tpu.memory_space<vmem>>, %arg12: memref<128x128xf32, #tpu.memory_space<vmem_shared>>, %arg13: memref<!tpu.dma_semaphore, #tpu.memory_space<semaphore_mem>>, %arg14: memref<!tpu.dma_semaphore, #tpu.memory_space<semaphore_mem>>, %arg15: memref<!tpu.dma_semaphore, #tpu.memory_space<semaphore_mem>>, %arg16: memref<!tpu.dma_semaphore, #tpu.memory_space<semaphore_mem>>) attributes {dimension_semantics = [#tpu.dimension_semantics<core_parallel>, #tpu.dimension_semantics<subcore_parallel>], iteration_bounds = array<i64: 2, 16>, scalar_prefetch = 0 : i64, scratch_operands = 10 : i64, tpu.core_type = #tpu.core_type<sc_vector_subcore>, window_params = [{transform_indices = #map}, {transform_indices = #map1}, {transform_indices = #map1}, {transform_indices = #map1}, {transform_indices = #map1}]} {
    %mul3A = arith.constant 2 : i32
    %mul3A_0 = arith.muli %arg1, %mul3A : i32
    %add3A = arith.addi %mul3A_0, %arg0 : i32
    %mul3A_1 = arith.constant 6400 : i32
    %mul3A_2 = arith.muli %add3A, %mul3A_1 : i32
    "tpu.region"() ({
      %run_scoped3A = tpu.sem_alloc : memref<!tpu.dma_semaphore, #tpu.memory_space<semaphore_mem>>
      %dma_start3A_93 = tpu.memref_slice %arg2[%mul3A_2] : memref<204800xi32, #tpu.memory_space<hbm>> -> memref<6400xi32, #tpu.memory_space<hbm>>
      %dma_start3A_94 = tpu.memref_slice %arg2[%mul3A_2] : memref<204800xi32, #tpu.memory_space<hbm>> -> memref<6400xi32, #tpu.memory_space<hbm>>
      tpu.enqueue_dma source(%dma_start3A_94 : memref<6400xi32, #tpu.memory_space<hbm>>) target(%arg7 : memref<6400xi32, #tpu.memory_space<vmem>>) target_semaphore(%run_scoped3A : memref<!tpu.dma_semaphore, #tpu.memory_space<semaphore_mem>>)
      %dma_wait3A_95 = tpu.memref_slice %arg2[%mul3A_2] : memref<204800xi32, #tpu.memory_space<hbm>> -> memref<6400xi32, #tpu.memory_space<hbm>>
      %dma_wait3A_96 = tpu.memref_slice %arg2[%mul3A_2] : memref<204800xi32, #tpu.memory_space<hbm>> -> memref<6400xi32, #tpu.memory_space<hbm>>
      tpu.wait_dma2 semaphore(%run_scoped3A : memref<!tpu.dma_semaphore, #tpu.memory_space<semaphore_mem>>) src(%dma_wait3A_96 : memref<6400xi32, #tpu.memory_space<hbm>>) dst(%arg7 : memref<6400xi32, #tpu.memory_space<vmem>>)
      tpu.yield
    }) : () -> ()
    %multiple_of3A = arith.constant 0 : i32
    %multiple_of3A_3 = tpu.assume_multiple %multiple_of3A, 8 : i32
    %add3A_4 = arith.constant 0 : i32
    %add3A_5 = arith.addi %multiple_of3A_3, %add3A_4 : i32
    %dma_start3A = arith.constant 0 : i32
    %dma_start3A_6 = arith.constant 0 : i32
    %dma_start3A_7 = tpu.memref_slice %arg10[%dma_start3A, %dma_start3A_6] : memref<400x128xf32, #tpu.memory_space<vmem>> -> memref<128x128xf32, #tpu.memory_space<vmem>>
    %dma_start3A_8 = tpu.memref_slice %arg7[%add3A_5] : memref<6400xi32, #tpu.memory_space<vmem>> -> memref<128xi32, #tpu.memory_space<vmem>>
    %dma_start3A_9 = arith.constant 0 : i32
    %dma_start3A_10 = arith.constant 0 : i32
    %dma_start3A_11 = tpu.memref_slice %arg3[%dma_start3A_9, %dma_start3A_10] : memref<100000x128xf32, #tpu.memory_space<hbm>> -> memref<100000x128xf32, #tpu.memory_space<hbm>>
    tpu.enqueue_indirect_dma source(%dma_start3A_11 : memref<100000x128xf32, #tpu.memory_space<hbm>>) target(%dma_start3A_7 : memref<128x128xf32, #tpu.memory_space<vmem>>) offsets(%dma_start3A_8 : memref<128xi32, #tpu.memory_space<vmem>>) semaphore(%arg13 : memref<!tpu.dma_semaphore, #tpu.memory_space<semaphore_mem>>)
    %add3A_12 = arith.constant 128 : i32
    %add3A_13 = arith.addi %multiple_of3A_3, %add3A_12 : i32
    %dma_start3A_14 = arith.constant 128 : i32
    %dma_start3A_15 = arith.constant 0 : i32
    %dma_start3A_16 = tpu.memref_slice %arg10[%dma_start3A_14, %dma_start3A_15] : memref<400x128xf32, #tpu.memory_space<vmem>> -> memref<128x128xf32, #tpu.memory_space<vmem>>
    %dma_start3A_17 = tpu.memref_slice %arg7[%add3A_13] : memref<6400xi32, #tpu.memory_space<vmem>> -> memref<128xi32, #tpu.memory_space<vmem>>
    %dma_start3A_18 = arith.constant 0 : i32
    %dma_start3A_19 = arith.constant 0 : i32
    %dma_start3A_20 = tpu.memref_slice %arg3[%dma_start3A_18, %dma_start3A_19] : memref<100000x128xf32, #tpu.memory_space<hbm>> -> memref<100000x128xf32, #tpu.memory_space<hbm>>
    tpu.enqueue_indirect_dma source(%dma_start3A_20 : memref<100000x128xf32, #tpu.memory_space<hbm>>) target(%dma_start3A_16 : memref<128x128xf32, #tpu.memory_space<vmem>>) offsets(%dma_start3A_17 : memref<128xi32, #tpu.memory_space<vmem>>) semaphore(%arg13 : memref<!tpu.dma_semaphore, #tpu.memory_space<semaphore_mem>>)
    %add3A_21 = arith.constant 256 : i32
    %add3A_22 = arith.addi %multiple_of3A_3, %add3A_21 : i32
    %dma_start3A_23 = arith.constant 256 : i32
    %dma_start3A_24 = arith.constant 0 : i32
    %dma_start3A_25 = tpu.memref_slice %arg10[%dma_start3A_23, %dma_start3A_24] : memref<400x128xf32, #tpu.memory_space<vmem>> -> memref<128x128xf32, #tpu.memory_space<vmem>>
    %dma_start3A_26 = tpu.memref_slice %arg7[%add3A_22] : memref<6400xi32, #tpu.memory_space<vmem>> -> memref<128xi32, #tpu.memory_space<vmem>>
    %dma_start3A_27 = arith.constant 0 : i32
    %dma_start3A_28 = arith.constant 0 : i32
    %dma_start3A_29 = tpu.memref_slice %arg3[%dma_start3A_27, %dma_start3A_28] : memref<100000x128xf32, #tpu.memory_space<hbm>> -> memref<100000x128xf32, #tpu.memory_space<hbm>>
    tpu.enqueue_indirect_dma source(%dma_start3A_29 : memref<100000x128xf32, #tpu.memory_space<hbm>>) target(%dma_start3A_25 : memref<128x128xf32, #tpu.memory_space<vmem>>) offsets(%dma_start3A_26 : memref<128xi32, #tpu.memory_space<vmem>>) semaphore(%arg13 : memref<!tpu.dma_semaphore, #tpu.memory_space<semaphore_mem>>)
    %add3A_30 = arith.constant 384 : i32
    %add3A_31 = arith.addi %multiple_of3A_3, %add3A_30 : i32
    %dma_start3A_32 = arith.constant 384 : i32
    %dma_start3A_33 = arith.constant 0 : i32
    %dma_start3A_34 = tpu.memref_slice %arg10[%dma_start3A_32, %dma_start3A_33] : memref<400x128xf32, #tpu.memory_space<vmem>> -> memref<16x128xf32, #tpu.memory_space<vmem>>
    %dma_start3A_35 = tpu.memref_slice %arg7[%add3A_31] : memref<6400xi32, #tpu.memory_space<vmem>> -> memref<16xi32, #tpu.memory_space<vmem>>
    %dma_start3A_36 = arith.constant 0 : i32
    %dma_start3A_37 = arith.constant 0 : i32
    %dma_start3A_38 = tpu.memref_slice %arg3[%dma_start3A_36, %dma_start3A_37] : memref<100000x128xf32, #tpu.memory_space<hbm>> -> memref<100000x128xf32, #tpu.memory_space<hbm>>
    tpu.enqueue_indirect_dma source(%dma_start3A_38 : memref<100000x128xf32, #tpu.memory_space<hbm>>) target(%dma_start3A_34 : memref<16x128xf32, #tpu.memory_space<vmem>>) offsets(%dma_start3A_35 : memref<16xi32, #tpu.memory_space<vmem>>) semaphore(%arg13 : memref<!tpu.dma_semaphore, #tpu.memory_space<semaphore_mem>>)
    "tpu.region"() ({
      %run_scoped3A = tpu.sem_alloc : memref<!tpu.dma_semaphore, #tpu.memory_space<semaphore_mem>>
      tpu.enqueue_dma source(%arg4 : memref<48x128xi32, #tpu.memory_space<hbm>>) target(%arg8 : memref<48x128xi32, #tpu.memory_space<vmem>>) target_semaphore(%run_scoped3A : memref<!tpu.dma_semaphore, #tpu.memory_space<semaphore_mem>>)
      tpu.wait_dma2 semaphore(%run_scoped3A : memref<!tpu.dma_semaphore, #tpu.memory_space<semaphore_mem>>) src(%arg4 : memref<48x128xi32, #tpu.memory_space<hbm>>) dst(%arg8 : memref<48x128xi32, #tpu.memory_space<vmem>>)
      tpu.yield
    }) : () -> ()
    "tpu.region"() ({
      %run_scoped3A = tpu.sem_alloc : memref<!tpu.dma_semaphore, #tpu.memory_space<semaphore_mem>>
      tpu.enqueue_dma source(%arg5 : memref<16x16xi32, #tpu.memory_space<hbm>>) target(%arg9 : memref<16x16xi32, #tpu.memory_space<vmem>>) target_semaphore(%run_scoped3A : memref<!tpu.dma_semaphore, #tpu.memory_space<semaphore_mem>>)
      tpu.wait_dma2 semaphore(%run_scoped3A : memref<!tpu.dma_semaphore, #tpu.memory_space<semaphore_mem>>) src(%arg5 : memref<16x16xi32, #tpu.memory_space<hbm>>) dst(%arg9 : memref<16x16xi32, #tpu.memory_space<vmem>>)
      tpu.yield
    }) : () -> ()
    %scan3A = arith.constant 0 : i32
    %scan3A_39 = arith.constant 0 : i32
    %scan3A_40 = arith.constant 128 : i32
    %scan3A_41 = arith.addi %scan3A_39, %scan3A_40 : i32
    %scan3A_42 = arith.constant 1 : i32
    %scan3A_43 = scf.for %scan3A_93 = %scan3A_39 to %scan3A_41 step %scan3A_42 iter_args(%scan3A_94 = %scan3A) -> (i32)  : i32 {
      %broadcast_in_dim3A = arith.constant 0.000000e+00 : f32
      %broadcast_in_dim3A_95 = vector.broadcast %broadcast_in_dim3A : f32 to vector<16xf32>
      %swap3A = arith.index_cast %scan3A_93 : i32 to index
      %swap3A_96 = arith.constant 0 : index
      %swap3A_97 = tpu.vector_load %arg11[%swap3A, %swap3A_96] {strides = array<i32>} : memref<400x128xf32, #tpu.memory_space<vmem>>, vector<1x16xf32>,
      %swap3A_98 = vector.shape_cast %swap3A_97 : vector<1x16xf32> to vector<16xf32>
      %swap3A_99 = vector.shape_cast %broadcast_in_dim3A_95 : vector<16xf32> to vector<1x16xf32>
      tpu.vector_store %arg11[%swap3A, %swap3A_96], %swap3A_99 {strides = array<i32>} : memref<400x128xf32, #tpu.memory_space<vmem>>, vector<1x16xf32>,
      %broadcast_in_dim3A_100 = arith.constant 0.000000e+00 : f32
      %broadcast_in_dim3A_101 = vector.broadcast %broadcast_in_dim3A_100 : f32 to vector<16xf32>
      %swap3A_102 = arith.index_cast %scan3A_93 : i32 to index
      %swap3A_103 = arith.constant 16 : index
      %swap3A_104 = tpu.vector_load %arg11[%swap3A_102, %swap3A_103] {strides = array<i32>} : memref<400x128xf32, #tpu.memory_space<vmem>>, vector<1x16xf32>,
      %swap3A_105 = vector.shape_cast %swap3A_104 : vector<1x16xf32> to vector<16xf32>
      %swap3A_106 = vector.shape_cast %broadcast_in_dim3A_101 : vector<16xf32> to vector<1x16xf32>
      tpu.vector_store %arg11[%swap3A_102, %swap3A_103], %swap3A_106 {strides = array<i32>} : memref<400x128xf32, #tpu.memory_space<vmem>>, vector<1x16xf32>,
      %broadcast_in_dim3A_107 = arith.constant 0.000000e+00 : f32
      %broadcast_in_dim3A_108 = vector.broadcast %broadcast_in_dim3A_107 : f32 to vector<16xf32>
      %swap3A_109 = arith.index_cast %scan3A_93 : i32 to index
      %swap3A_110 = arith.constant 32 : index
      %swap3A_111 = tpu.vector_load %arg11[%swap3A_109, %swap3A_110] {strides = array<i32>} : memref<400x128xf32, #tpu.memory_space<vmem>>, vector<1x16xf32>,
      %swap3A_112 = vector.shape_cast %swap3A_111 : vector<1x16xf32> to vector<16xf32>
      %swap3A_113 = vector.shape_cast %broadcast_in_dim3A_108 : vector<16xf32> to vector<1x16xf32>
      tpu.vector_store %arg11[%swap3A_109, %swap3A_110], %swap3A_113 {strides = array<i32>} : memref<400x128xf32, #tpu.memory_space<vmem>>, vector<1x16xf32>,
      %broadcast_in_dim3A_114 = arith.constant 0.000000e+00 : f32
      %broadcast_in_dim3A_115 = vector.broadcast %broadcast_in_dim3A_114 : f32 to vector<16xf32>
      %swap3A_116 = arith.index_cast %scan3A_93 : i32 to index
      %swap3A_117 = arith.constant 48 : index
      %swap3A_118 = tpu.vector_load %arg11[%swap3A_116, %swap3A_117] {strides = array<i32>} : memref<400x128xf32, #tpu.memory_space<vmem>>, vector<1x16xf32>,
      %swap3A_119 = vector.shape_cast %swap3A_118 : vector<1x16xf32> to vector<16xf32>
      %swap3A_120 = vector.shape_cast %broadcast_in_dim3A_115 : vector<16xf32> to vector<1x16xf32>
      tpu.vector_store %arg11[%swap3A_116, %swap3A_117], %swap3A_120 {strides = array<i32>} : memref<400x128xf32, #tpu.memory_space<vmem>>, vector<1x16xf32>,
      %broadcast_in_dim3A_121 = arith.constant 0.000000e+00 : f32
      %broadcast_in_dim3A_122 = vector.broadcast %broadcast_in_dim3A_121 : f32 to vector<16xf32>
      %swap3A_123 = arith.index_cast %scan3A_93 : i32 to index
      %swap3A_124 = arith.constant 64 : index
      %swap3A_125 = tpu.vector_load %arg11[%swap3A_123, %swap3A_124] {strides = array<i32>} : memref<400x128xf32, #tpu.memory_space<vmem>>, vector<1x16xf32>,
      %swap3A_126 = vector.shape_cast %swap3A_125 : vector<1x16xf32> to vector<16xf32>
      %swap3A_127 = vector.shape_cast %broadcast_in_dim3A_122 : vector<16xf32> to vector<1x16xf32>
      tpu.vector_store %arg11[%swap3A_123, %swap3A_124], %swap3A_127 {strides = array<i32>} : memref<400x128xf32, #tpu.memory_space<vmem>>, vector<1x16xf32>,
      %broadcast_in_dim3A_128 = arith.constant 0.000000e+00 : f32
      %broadcast_in_dim3A_129 = vector.broadcast %broadcast_in_dim3A_128 : f32 to vector<16xf32>
      %swap3A_130 = arith.index_cast %scan3A_93 : i32 to index
      %swap3A_131 = arith.constant 80 : index
      %swap3A_132 = tpu.vector_load %arg11[%swap3A_130, %swap3A_131] {strides = array<i32>} : memref<400x128xf32, #tpu.memory_space<vmem>>, vector<1x16xf32>,
      %swap3A_133 = vector.shape_cast %swap3A_132 : vector<1x16xf32> to vector<16xf32>
      %swap3A_134 = vector.shape_cast %broadcast_in_dim3A_129 : vector<16xf32> to vector<1x16xf32>
      tpu.vector_store %arg11[%swap3A_130, %swap3A_131], %swap3A_134 {strides = array<i32>} : memref<400x128xf32, #tpu.memory_space<vmem>>, vector<1x16xf32>,
      %broadcast_in_dim3A_135 = arith.constant 0.000000e+00 : f32
      %broadcast_in_dim3A_136 = vector.broadcast %broadcast_in_dim3A_135 : f32 to vector<16xf32>
      %swap3A_137 = arith.index_cast %scan3A_93 : i32 to index
      %swap3A_138 = arith.constant 96 : index
      %swap3A_139 = tpu.vector_load %arg11[%swap3A_137, %swap3A_138] {strides = array<i32>} : memref<400x128xf32, #tpu.memory_space<vmem>>, vector<1x16xf32>,
      %swap3A_140 = vector.shape_cast %swap3A_139 : vector<1x16xf32> to vector<16xf32>
      %swap3A_141 = vector.shape_cast %broadcast_in_dim3A_136 : vector<16xf32> to vector<1x16xf32>
      tpu.vector_store %arg11[%swap3A_137, %swap3A_138], %swap3A_141 {strides = array<i32>} : memref<400x128xf32, #tpu.memory_space<vmem>>, vector<1x16xf32>,
      %broadcast_in_dim3A_142 = arith.constant 0.000000e+00 : f32
      %broadcast_in_dim3A_143 = vector.broadcast %broadcast_in_dim3A_142 : f32 to vector<16xf32>
      %swap3A_144 = arith.index_cast %scan3A_93 : i32 to index
      %swap3A_145 = arith.constant 112 : index
      %swap3A_146 = tpu.vector_load %arg11[%swap3A_144, %swap3A_145] {strides = array<i32>} : memref<400x128xf32, #tpu.memory_space<vmem>>, vector<1x16xf32>,
      %swap3A_147 = vector.shape_cast %swap3A_146 : vector<1x16xf32> to vector<16xf32>
      %swap3A_148 = vector.shape_cast %broadcast_in_dim3A_143 : vector<16xf32> to vector<1x16xf32>
      tpu.vector_store %arg11[%swap3A_144, %swap3A_145], %swap3A_148 {strides = array<i32>} : memref<400x128xf32, #tpu.memory_space<vmem>>, vector<1x16xf32>,
      %scan3A_149 = arith.constant 0 : i32
      scf.yield %scan3A_149 : i32
    }
    %scan3A_44 = arith.constant 128 : i32
    "tpu.region"() ({
      %run_scoped3A = tpu.sem_alloc : memref<!tpu.dma_semaphore, #tpu.memory_space<semaphore_mem>>
      %dma_start3A_93 = arith.constant 0 : i32
      %dma_start3A_94 = arith.constant 0 : i32
      %dma_start3A_95 = tpu.memref_slice %arg11[%dma_start3A_93, %dma_start3A_94] : memref<400x128xf32, #tpu.memory_space<vmem>> -> memref<128x128xf32, #tpu.memory_space<vmem>>
      %dma_start3A_96 = arith.constant 0 : i32
      %dma_start3A_97 = arith.constant 0 : i32
      %dma_start3A_98 = tpu.memref_slice %arg11[%dma_start3A_96, %dma_start3A_97] : memref<400x128xf32, #tpu.memory_space<vmem>> -> memref<128x128xf32, #tpu.memory_space<vmem>>
      tpu.enqueue_dma source(%dma_start3A_98 : memref<128x128xf32, #tpu.memory_space<vmem>>) target(%arg12 : memref<128x128xf32, #tpu.memory_space<vmem_shared>>) target_semaphore(%run_scoped3A : memref<!tpu.dma_semaphore, #tpu.memory_space<semaphore_mem>>)
      %dma_wait3A_99 = arith.constant 0 : i32
      %dma_wait3A_100 = arith.constant 0 : i32
      %dma_wait3A_101 = tpu.memref_slice %arg11[%dma_wait3A_99, %dma_wait3A_100] : memref<400x128xf32, #tpu.memory_space<vmem>> -> memref<128x128xf32, #tpu.memory_space<vmem>>
      %dma_wait3A_102 = arith.constant 0 : i32
      %dma_wait3A_103 = arith.constant 0 : i32
      %dma_wait3A_104 = tpu.memref_slice %arg11[%dma_wait3A_102, %dma_wait3A_103] : memref<400x128xf32, #tpu.memory_space<vmem>> -> memref<128x128xf32, #tpu.memory_space<vmem>>
      tpu.wait_dma2 semaphore(%run_scoped3A : memref<!tpu.dma_semaphore, #tpu.memory_space<semaphore_mem>>) src(%dma_wait3A_104 : memref<128x128xf32, #tpu.memory_space<vmem>>) dst(%arg12 : memref<128x128xf32, #tpu.memory_space<vmem_shared>>)
      tpu.yield
    }) : () -> ()
    %scan3A_45 = arith.constant 0 : i32
    %scan3A_46 = arith.constant 0 : i32
    %scan3A_47 = arith.constant 8 : i32
    %scan3A_48 = arith.addi %scan3A_46, %scan3A_47 : i32
    %scan3A_49 = arith.constant 1 : i32
    scf.for %scan3A_93 = %scan3A_46 to %scan3A_48 step %scan3A_49  : i32 {
      %mul3A_94 = arith.constant 2 : i32
      %mul3A_95 = arith.muli %scan3A_93, %mul3A_94 : i32
      %add3A_96 = arith.constant 0 : i32
      %add3A_97 = arith.addi %mul3A_95, %add3A_96 : i32
      %ge3A = arith.constant 1 : i32
      %ge3A_98 = arith.cmpi sge, %add3A_97, %ge3A : i32
      %convert_element_type3A = arith.extui %ge3A_98 : i1 to i32
      %cond3A = arith.constant 0 : i32
      %cond3A_99 = arith.cmpi ne, %convert_element_type3A, %cond3A : i32
      scf.if %cond3A_99 {
        %dma_wait3A_282 = arith.constant 0 : i32
        %dma_wait3A_283 = arith.constant 0 : i32
        %dma_wait3A_284 = arith.constant 0 : i32
        %dma_wait3A_285 = tpu.memref_slice %arg11[%dma_wait3A_283, %dma_wait3A_284] : memref<400x128xf32, #tpu.memory_space<vmem>> -> memref<128x128xf32, #tpu.memory_space<vmem>>
        %dma_wait3A_286 = arith.constant 0 : i32
        %dma_wait3A_287 = tpu.memref_slice %arg8[%dma_wait3A_282, %dma_wait3A_286] : memref<48x128xi32, #tpu.memory_space<vmem>> -> memref<1x128xi32, #tpu.memory_space<vmem>>
        %dma_wait3A_288 = tpu.memref_squeeze %dma_wait3A_287 : memref<1x128xi32, #tpu.memory_space<vmem>> -> memref<128xi32, #tpu.memory_space<vmem>>
        %dma_wait3A_289 = arith.constant 0 : i32
        %dma_wait3A_290 = arith.constant 0 : i32
        %dma_wait3A_291 = tpu.memref_slice %arg12[%dma_wait3A_289, %dma_wait3A_290] : memref<128x128xf32, #tpu.memory_space<vmem_shared>> -> memref<128x128xf32, #tpu.memory_space<vmem_shared>>
        tpu.wait_indirect_dma semaphore(%arg16 : memref<!tpu.dma_semaphore, #tpu.memory_space<semaphore_mem>>) src(%dma_wait3A_285 : memref<128x128xf32, #tpu.memory_space<vmem>>) dst(%dma_wait3A_291 : memref<128x128xf32, #tpu.memory_space<vmem_shared>>)
        %dma_wait3A_292 = arith.constant 0 : i32
        %dma_wait3A_293 = arith.constant 128 : i32
        %dma_wait3A_294 = arith.constant 0 : i32
        %dma_wait3A_295 = tpu.memref_slice %arg11[%dma_wait3A_293, %dma_wait3A_294] : memref<400x128xf32, #tpu.memory_space<vmem>> -> memref<128x128xf32, #tpu.memory_space<vmem>>
        %dma_wait3A_296 = arith.constant 0 : i32
        %dma_wait3A_297 = tpu.memref_slice %arg8[%dma_wait3A_292, %dma_wait3A_296] : memref<48x128xi32, #tpu.memory_space<vmem>> -> memref<1x128xi32, #tpu.memory_space<vmem>>
        %dma_wait3A_298 = tpu.memref_squeeze %dma_wait3A_297 : memref<1x128xi32, #tpu.memory_space<vmem>> -> memref<128xi32, #tpu.memory_space<vmem>>
        %dma_wait3A_299 = arith.constant 0 : i32
        %dma_wait3A_300 = arith.constant 0 : i32
        %dma_wait3A_301 = tpu.memref_slice %arg12[%dma_wait3A_299, %dma_wait3A_300] : memref<128x128xf32, #tpu.memory_space<vmem_shared>> -> memref<128x128xf32, #tpu.memory_space<vmem_shared>>
        tpu.wait_indirect_dma semaphore(%arg16 : memref<!tpu.dma_semaphore, #tpu.memory_space<semaphore_mem>>) src(%dma_wait3A_295 : memref<128x128xf32, #tpu.memory_space<vmem>>) dst(%dma_wait3A_301 : memref<128x128xf32, #tpu.memory_space<vmem_shared>>)
        %dma_wait3A_302 = arith.constant 0 : i32
        %dma_wait3A_303 = arith.constant 256 : i32
        %dma_wait3A_304 = arith.constant 0 : i32
        %dma_wait3A_305 = tpu.memref_slice %arg11[%dma_wait3A_303, %dma_wait3A_304] : memref<400x128xf32, #tpu.memory_space<vmem>> -> memref<128x128xf32, #tpu.memory_space<vmem>>
        %dma_wait3A_306 = arith.constant 0 : i32
        %dma_wait3A_307 = tpu.memref_slice %arg8[%dma_wait3A_302, %dma_wait3A_306] : memref<48x128xi32, #tpu.memory_space<vmem>> -> memref<1x128xi32, #tpu.memory_space<vmem>>
        %dma_wait3A_308 = tpu.memref_squeeze %dma_wait3A_307 : memref<1x128xi32, #tpu.memory_space<vmem>> -> memref<128xi32, #tpu.memory_space<vmem>>
        %dma_wait3A_309 = arith.constant 0 : i32
        %dma_wait3A_310 = arith.constant 0 : i32
        %dma_wait3A_311 = tpu.memref_slice %arg12[%dma_wait3A_309, %dma_wait3A_310] : memref<128x128xf32, #tpu.memory_space<vmem_shared>> -> memref<128x128xf32, #tpu.memory_space<vmem_shared>>
        tpu.wait_indirect_dma semaphore(%arg16 : memref<!tpu.dma_semaphore, #tpu.memory_space<semaphore_mem>>) src(%dma_wait3A_305 : memref<128x128xf32, #tpu.memory_space<vmem>>) dst(%dma_wait3A_311 : memref<128x128xf32, #tpu.memory_space<vmem_shared>>)
        %dma_wait3A_312 = arith.constant 0 : i32
        %dma_wait3A_313 = arith.constant 384 : i32
        %dma_wait3A_314 = arith.constant 0 : i32
        %dma_wait3A_315 = tpu.memref_slice %arg11[%dma_wait3A_313, %dma_wait3A_314] : memref<400x128xf32, #tpu.memory_space<vmem>> -> memref<16x128xf32, #tpu.memory_space<vmem>>
        %dma_wait3A_316 = arith.constant 0 : i32
        %dma_wait3A_317 = tpu.memref_slice %arg9[%dma_wait3A_312, %dma_wait3A_316] : memref<16x16xi32, #tpu.memory_space<vmem>> -> memref<1x16xi32, #tpu.memory_space<vmem>>
        %dma_wait3A_318 = tpu.memref_squeeze %dma_wait3A_317 : memref<1x16xi32, #tpu.memory_space<vmem>> -> memref<16xi32, #tpu.memory_space<vmem>>
        %dma_wait3A_319 = arith.constant 0 : i32
        %dma_wait3A_320 = arith.constant 0 : i32
        %dma_wait3A_321 = tpu.memref_slice %arg12[%dma_wait3A_319, %dma_wait3A_320] : memref<128x128xf32, #tpu.memory_space<vmem_shared>> -> memref<128x128xf32, #tpu.memory_space<vmem_shared>>
        tpu.wait_indirect_dma semaphore(%arg16 : memref<!tpu.dma_semaphore, #tpu.memory_space<semaphore_mem>>) src(%dma_wait3A_315 : memref<16x128xf32, #tpu.memory_space<vmem>>) dst(%dma_wait3A_321 : memref<128x128xf32, #tpu.memory_space<vmem_shared>>)
      } else {
      }
      %add3A_100 = arith.constant 1 : i32
      %add3A_101 = arith.addi %add3A_97, %add3A_100 : i32
      %lt3A = arith.constant 16 : i32
      %lt3A_102 = arith.cmpi slt, %add3A_101, %lt3A : i32
      %convert_element_type3A_103 = arith.extui %lt3A_102 : i1 to i32
      %cond3A_104 = arith.constant 0 : i32
      %cond3A_105 = arith.cmpi ne, %convert_element_type3A_103, %cond3A_104 : i32
      scf.if %cond3A_105 {
        %add3A_282 = arith.constant 1 : i32
        %add3A_283 = arith.addi %add3A_97, %add3A_282 : i32
        %mul3A_284 = arith.constant 400 : i32
        %mul3A_285 = arith.muli %add3A_283, %mul3A_284 : i32
        %multiple_of3A_286 = tpu.assume_multiple %mul3A_285, 8 : i32
        %add3A_287 = arith.constant 0 : i32
        %add3A_288 = arith.addi %multiple_of3A_286, %add3A_287 : i32
        %dma_start3A_289 = arith.constant 0 : i32
        %dma_start3A_290 = arith.constant 0 : i32
        %dma_start3A_291 = tpu.memref_slice %arg11[%dma_start3A_289, %dma_start3A_290] : memref<400x128xf32, #tpu.memory_space<vmem>> -> memref<128x128xf32, #tpu.memory_space<vmem>>
        %dma_start3A_292 = tpu.memref_slice %arg7[%add3A_288] : memref<6400xi32, #tpu.memory_space<vmem>> -> memref<128xi32, #tpu.memory_space<vmem>>
        %dma_start3A_293 = arith.constant 0 : i32
        %dma_start3A_294 = arith.constant 0 : i32
        %dma_start3A_295 = tpu.memref_slice %arg3[%dma_start3A_293, %dma_start3A_294] : memref<100000x128xf32, #tpu.memory_space<hbm>> -> memref<100000x128xf32, #tpu.memory_space<hbm>>
        tpu.enqueue_indirect_dma source(%dma_start3A_295 : memref<100000x128xf32, #tpu.memory_space<hbm>>) target(%dma_start3A_291 : memref<128x128xf32, #tpu.memory_space<vmem>>) offsets(%dma_start3A_292 : memref<128xi32, #tpu.memory_space<vmem>>) semaphore(%arg14 : memref<!tpu.dma_semaphore, #tpu.memory_space<semaphore_mem>>)
        %add3A_296 = arith.constant 128 : i32
        %add3A_297 = arith.addi %multiple_of3A_286, %add3A_296 : i32
        %dma_start3A_298 = arith.constant 128 : i32
        %dma_start3A_299 = arith.constant 0 : i32
        %dma_start3A_300 = tpu.memref_slice %arg11[%dma_start3A_298, %dma_start3A_299] : memref<400x128xf32, #tpu.memory_space<vmem>> -> memref<128x128xf32, #tpu.memory_space<vmem>>
        %dma_start3A_301 = tpu.memref_slice %arg7[%add3A_297] : memref<6400xi32, #tpu.memory_space<vmem>> -> memref<128xi32, #tpu.memory_space<vmem>>
        %dma_start3A_302 = arith.constant 0 : i32
        %dma_start3A_303 = arith.constant 0 : i32
        %dma_start3A_304 = tpu.memref_slice %arg3[%dma_start3A_302, %dma_start3A_303] : memref<100000x128xf32, #tpu.memory_space<hbm>> -> memref<100000x128xf32, #tpu.memory_space<hbm>>
        tpu.enqueue_indirect_dma source(%dma_start3A_304 : memref<100000x128xf32, #tpu.memory_space<hbm>>) target(%dma_start3A_300 : memref<128x128xf32, #tpu.memory_space<vmem>>) offsets(%dma_start3A_301 : memref<128xi32, #tpu.memory_space<vmem>>) semaphore(%arg14 : memref<!tpu.dma_semaphore, #tpu.memory_space<semaphore_mem>>)
        %add3A_305 = arith.constant 256 : i32
        %add3A_306 = arith.addi %multiple_of3A_286, %add3A_305 : i32
        %dma_start3A_307 = arith.constant 256 : i32
        %dma_start3A_308 = arith.constant 0 : i32
        %dma_start3A_309 = tpu.memref_slice %arg11[%dma_start3A_307, %dma_start3A_308] : memref<400x128xf32, #tpu.memory_space<vmem>> -> memref<128x128xf32, #tpu.memory_space<vmem>>
        %dma_start3A_310 = tpu.memref_slice %arg7[%add3A_306] : memref<6400xi32, #tpu.memory_space<vmem>> -> memref<128xi32, #tpu.memory_space<vmem>>
        %dma_start3A_311 = arith.constant 0 : i32
        %dma_start3A_312 = arith.constant 0 : i32
        %dma_start3A_313 = tpu.memref_slice %arg3[%dma_start3A_311, %dma_start3A_312] : memref<100000x128xf32, #tpu.memory_space<hbm>> -> memref<100000x128xf32, #tpu.memory_space<hbm>>
        tpu.enqueue_indirect_dma source(%dma_start3A_313 : memref<100000x128xf32, #tpu.memory_space<hbm>>) target(%dma_start3A_309 : memref<128x128xf32, #tpu.memory_space<vmem>>) offsets(%dma_start3A_310 : memref<128xi32, #tpu.memory_space<vmem>>) semaphore(%arg14 : memref<!tpu.dma_semaphore, #tpu.memory_space<semaphore_mem>>)
        %add3A_314 = arith.constant 384 : i32
        %add3A_315 = arith.addi %multiple_of3A_286, %add3A_314 : i32
        %dma_start3A_316 = arith.constant 384 : i32
        %dma_start3A_317 = arith.constant 0 : i32
        %dma_start3A_318 = tpu.memref_slice %arg11[%dma_start3A_316, %dma_start3A_317] : memref<400x128xf32, #tpu.memory_space<vmem>> -> memref<16x128xf32, #tpu.memory_space<vmem>>
        %dma_start3A_319 = tpu.memref_slice %arg7[%add3A_315] : memref<6400xi32, #tpu.memory_space<vmem>> -> memref<16xi32, #tpu.memory_space<vmem>>
        %dma_start3A_320 = arith.constant 0 : i32
        %dma_start3A_321 = arith.constant 0 : i32
        %dma_start3A_322 = tpu.memref_slice %arg3[%dma_start3A_320, %dma_start3A_321] : memref<100000x128xf32, #tpu.memory_space<hbm>> -> memref<100000x128xf32, #tpu.memory_space<hbm>>
        tpu.enqueue_indirect_dma source(%dma_start3A_322 : memref<100000x128xf32, #tpu.memory_space<hbm>>) target(%dma_start3A_318 : memref<16x128xf32, #tpu.memory_space<vmem>>) offsets(%dma_start3A_319 : memref<16xi32, #tpu.memory_space<vmem>>) semaphore(%arg14 : memref<!tpu.dma_semaphore, #tpu.memory_space<semaphore_mem>>)
      } else {
      }
      %dma_wait3A_106 = arith.constant 0 : i32
      %dma_wait3A_107 = arith.constant 0 : i32
      %dma_wait3A_108 = tpu.memref_slice %arg10[%dma_wait3A_106, %dma_wait3A_107] : memref<400x128xf32, #tpu.memory_space<vmem>> -> memref<128x128xf32, #tpu.memory_space<vmem>>
      %dma_wait3A_109 = arith.constant 0 : i32
      %dma_wait3A_110 = tpu.memref_slice %arg7[%dma_wait3A_109] : memref<6400xi32, #tpu.memory_space<vmem>> -> memref<128xi32, #tpu.memory_space<vmem>>
      %dma_wait3A_111 = arith.constant 0 : i32
      %dma_wait3A_112 = arith.constant 0 : i32
      %dma_wait3A_113 = tpu.memref_slice %arg3[%dma_wait3A_111, %dma_wait3A_112] : memref<100000x128xf32, #tpu.memory_space<hbm>> -> memref<100000x128xf32, #tpu.memory_space<hbm>>
      tpu.wait_indirect_dma semaphore(%arg13 : memref<!tpu.dma_semaphore, #tpu.memory_space<semaphore_mem>>) src(%dma_wait3A_113 : memref<100000x128xf32, #tpu.memory_space<hbm>>) dst(%dma_wait3A_108 : memref<128x128xf32, #tpu.memory_space<vmem>>)
      %dma_wait3A_114 = arith.constant 128 : i32
      %dma_wait3A_115 = arith.constant 0 : i32
      %dma_wait3A_116 = tpu.memref_slice %arg10[%dma_wait3A_114, %dma_wait3A_115] : memref<400x128xf32, #tpu.memory_space<vmem>> -> memref<128x128xf32, #tpu.memory_space<vmem>>
      %dma_wait3A_117 = arith.constant 128 : i32
      %dma_wait3A_118 = tpu.memref_slice %arg7[%dma_wait3A_117] : memref<6400xi32, #tpu.memory_space<vmem>> -> memref<128xi32, #tpu.memory_space<vmem>>
      %dma_wait3A_119 = arith.constant 0 : i32
      %dma_wait3A_120 = arith.constant 0 : i32
      %dma_wait3A_121 = tpu.memref_slice %arg3[%dma_wait3A_119, %dma_wait3A_120] : memref<100000x128xf32, #tpu.memory_space<hbm>> -> memref<100000x128xf32, #tpu.memory_space<hbm>>
      tpu.wait_indirect_dma semaphore(%arg13 : memref<!tpu.dma_semaphore, #tpu.memory_space<semaphore_mem>>) src(%dma_wait3A_121 : memref<100000x128xf32, #tpu.memory_space<hbm>>) dst(%dma_wait3A_116 : memref<128x128xf32, #tpu.memory_space<vmem>>)
      %dma_wait3A_122 = arith.constant 256 : i32
      %dma_wait3A_123 = arith.constant 0 : i32
      %dma_wait3A_124 = tpu.memref_slice %arg10[%dma_wait3A_122, %dma_wait3A_123] : memref<400x128xf32, #tpu.memory_space<vmem>> -> memref<128x128xf32, #tpu.memory_space<vmem>>
      %dma_wait3A_125 = arith.constant 256 : i32
      %dma_wait3A_126 = tpu.memref_slice %arg7[%dma_wait3A_125] : memref<6400xi32, #tpu.memory_space<vmem>> -> memref<128xi32, #tpu.memory_space<vmem>>
      %dma_wait3A_127 = arith.constant 0 : i32
      %dma_wait3A_128 = arith.constant 0 : i32
      %dma_wait3A_129 = tpu.memref_slice %arg3[%dma_wait3A_127, %dma_wait3A_128] : memref<100000x128xf32, #tpu.memory_space<hbm>> -> memref<100000x128xf32, #tpu.memory_space<hbm>>
      tpu.wait_indirect_dma semaphore(%arg13 : memref<!tpu.dma_semaphore, #tpu.memory_space<semaphore_mem>>) src(%dma_wait3A_129 : memref<100000x128xf32, #tpu.memory_space<hbm>>) dst(%dma_wait3A_124 : memref<128x128xf32, #tpu.memory_space<vmem>>)
      %dma_wait3A_130 = arith.constant 384 : i32
      %dma_wait3A_131 = arith.constant 0 : i32
      %dma_wait3A_132 = tpu.memref_slice %arg10[%dma_wait3A_130, %dma_wait3A_131] : memref<400x128xf32, #tpu.memory_space<vmem>> -> memref<16x128xf32, #tpu.memory_space<vmem>>
      %dma_wait3A_133 = arith.constant 384 : i32
      %dma_wait3A_134 = tpu.memref_slice %arg7[%dma_wait3A_133] : memref<6400xi32, #tpu.memory_space<vmem>> -> memref<16xi32, #tpu.memory_space<vmem>>
      %dma_wait3A_135 = arith.constant 0 : i32
      %dma_wait3A_136 = arith.constant 0 : i32
      %dma_wait3A_137 = tpu.memref_slice %arg3[%dma_wait3A_135, %dma_wait3A_136] : memref<100000x128xf32, #tpu.memory_space<hbm>> -> memref<100000x128xf32, #tpu.memory_space<hbm>>
      tpu.wait_indirect_dma semaphore(%arg13 : memref<!tpu.dma_semaphore, #tpu.memory_space<semaphore_mem>>) src(%dma_wait3A_137 : memref<100000x128xf32, #tpu.memory_space<hbm>>) dst(%dma_wait3A_132 : memref<16x128xf32, #tpu.memory_space<vmem>>)
      %mul3A_138 = arith.constant 3 : i32
      %mul3A_139 = arith.muli %mul3A_138, %add3A_97 : i32
      %add3A_140 = arith.constant 0 : i32
      %add3A_141 = arith.addi %mul3A_139, %add3A_140 : i32
      %dma_start3A_142 = arith.constant 0 : i32
      %dma_start3A_143 = arith.constant 0 : i32
      %dma_start3A_144 = tpu.memref_slice %arg10[%dma_start3A_142, %dma_start3A_143] : memref<400x128xf32, #tpu.memory_space<vmem>> -> memref<128x128xf32, #tpu.memory_space<vmem>>
      %dma_start3A_145 = arith.constant 0 : i32
      %dma_start3A_146 = tpu.memref_slice %arg8[%add3A_141, %dma_start3A_145] : memref<48x128xi32, #tpu.memory_space<vmem>> -> memref<1x128xi32, #tpu.memory_space<vmem>>
      %dma_start3A_147 = tpu.memref_squeeze %dma_start3A_146 : memref<1x128xi32, #tpu.memory_space<vmem>> -> memref<128xi32, #tpu.memory_space<vmem>>
      %dma_start3A_148 = arith.constant 0 : i32
      %dma_start3A_149 = arith.constant 0 : i32
      %dma_start3A_150 = tpu.memref_slice %arg12[%dma_start3A_148, %dma_start3A_149] : memref<128x128xf32, #tpu.memory_space<vmem_shared>> -> memref<128x128xf32, #tpu.memory_space<vmem_shared>>
      tpu.enqueue_indirect_dma source(%dma_start3A_144 : memref<128x128xf32, #tpu.memory_space<vmem>>) target(%dma_start3A_150 : memref<128x128xf32, #tpu.memory_space<vmem_shared>>) offsets(%dma_start3A_147 : memref<128xi32, #tpu.memory_space<vmem>>) semaphore(%arg15 : memref<!tpu.dma_semaphore, #tpu.memory_space<semaphore_mem>>) {add = true}
      %mul3A_151 = arith.constant 3 : i32
      %mul3A_152 = arith.muli %mul3A_151, %add3A_97 : i32
      %add3A_153 = arith.constant 1 : i32
      %add3A_154 = arith.addi %mul3A_152, %add3A_153 : i32
      %dma_start3A_155 = arith.constant 128 : i32
      %dma_start3A_156 = arith.constant 0 : i32
      %dma_start3A_157 = tpu.memref_slice %arg10[%dma_start3A_155, %dma_start3A_156] : memref<400x128xf32, #tpu.memory_space<vmem>> -> memref<128x128xf32, #tpu.memory_space<vmem>>
      %dma_start3A_158 = arith.constant 0 : i32
      %dma_start3A_159 = tpu.memref_slice %arg8[%add3A_154, %dma_start3A_158] : memref<48x128xi32, #tpu.memory_space<vmem>> -> memref<1x128xi32, #tpu.memory_space<vmem>>
      %dma_start3A_160 = tpu.memref_squeeze %dma_start3A_159 : memref<1x128xi32, #tpu.memory_space<vmem>> -> memref<128xi32, #tpu.memory_space<vmem>>
      %dma_start3A_161 = arith.constant 0 : i32
      %dma_start3A_162 = arith.constant 0 : i32
      %dma_start3A_163 = tpu.memref_slice %arg12[%dma_start3A_161, %dma_start3A_162] : memref<128x128xf32, #tpu.memory_space<vmem_shared>> -> memref<128x128xf32, #tpu.memory_space<vmem_shared>>
      tpu.enqueue_indirect_dma source(%dma_start3A_157 : memref<128x128xf32, #tpu.memory_space<vmem>>) target(%dma_start3A_163 : memref<128x128xf32, #tpu.memory_space<vmem_shared>>) offsets(%dma_start3A_160 : memref<128xi32, #tpu.memory_space<vmem>>) semaphore(%arg15 : memref<!tpu.dma_semaphore, #tpu.memory_space<semaphore_mem>>) {add = true}
      %mul3A_164 = arith.constant 3 : i32
      %mul3A_165 = arith.muli %mul3A_164, %add3A_97 : i32
      %add3A_166 = arith.constant 2 : i32
      %add3A_167 = arith.addi %mul3A_165, %add3A_166 : i32
      %dma_start3A_168 = arith.constant 256 : i32
      %dma_start3A_169 = arith.constant 0 : i32
      %dma_start3A_170 = tpu.memref_slice %arg10[%dma_start3A_168, %dma_start3A_169] : memref<400x128xf32, #tpu.memory_space<vmem>> -> memref<128x128xf32, #tpu.memory_space<vmem>>
      %dma_start3A_171 = arith.constant 0 : i32
      %dma_start3A_172 = tpu.memref_slice %arg8[%add3A_167, %dma_start3A_171] : memref<48x128xi32, #tpu.memory_space<vmem>> -> memref<1x128xi32, #tpu.memory_space<vmem>>
      %dma_start3A_173 = tpu.memref_squeeze %dma_start3A_172 : memref<1x128xi32, #tpu.memory_space<vmem>> -> memref<128xi32, #tpu.memory_space<vmem>>
      %dma_start3A_174 = arith.constant 0 : i32
      %dma_start3A_175 = arith.constant 0 : i32
      %dma_start3A_176 = tpu.memref_slice %arg12[%dma_start3A_174, %dma_start3A_175] : memref<128x128xf32, #tpu.memory_space<vmem_shared>> -> memref<128x128xf32, #tpu.memory_space<vmem_shared>>
      tpu.enqueue_indirect_dma source(%dma_start3A_170 : memref<128x128xf32, #tpu.memory_space<vmem>>) target(%dma_start3A_176 : memref<128x128xf32, #tpu.memory_space<vmem_shared>>) offsets(%dma_start3A_173 : memref<128xi32, #tpu.memory_space<vmem>>) semaphore(%arg15 : memref<!tpu.dma_semaphore, #tpu.memory_space<semaphore_mem>>) {add = true}
      %dma_start3A_177 = arith.constant 384 : i32
      %dma_start3A_178 = arith.constant 0 : i32
      %dma_start3A_179 = tpu.memref_slice %arg10[%dma_start3A_177, %dma_start3A_178] : memref<400x128xf32, #tpu.memory_space<vmem>> -> memref<16x128xf32, #tpu.memory_space<vmem>>
      %dma_start3A_180 = arith.constant 0 : i32
      %dma_start3A_181 = tpu.memref_slice %arg9[%add3A_97, %dma_start3A_180] : memref<16x16xi32, #tpu.memory_space<vmem>> -> memref<1x16xi32, #tpu.memory_space<vmem>>
      %dma_start3A_182 = tpu.memref_squeeze %dma_start3A_181 : memref<1x16xi32, #tpu.memory_space<vmem>> -> memref<16xi32, #tpu.memory_space<vmem>>
      %dma_start3A_183 = arith.constant 0 : i32
      %dma_start3A_184 = arith.constant 0 : i32
      %dma_start3A_185 = tpu.memref_slice %arg12[%dma_start3A_183, %dma_start3A_184] : memref<128x128xf32, #tpu.memory_space<vmem_shared>> -> memref<128x128xf32, #tpu.memory_space<vmem_shared>>
      tpu.enqueue_indirect_dma source(%dma_start3A_179 : memref<16x128xf32, #tpu.memory_space<vmem>>) target(%dma_start3A_185 : memref<128x128xf32, #tpu.memory_space<vmem_shared>>) offsets(%dma_start3A_182 : memref<16xi32, #tpu.memory_space<vmem>>) semaphore(%arg15 : memref<!tpu.dma_semaphore, #tpu.memory_space<semaphore_mem>>) {add = true}
      %mul3A_186 = arith.constant 2 : i32
      %mul3A_187 = arith.muli %scan3A_93, %mul3A_186 : i32
      %add3A_188 = arith.constant 1 : i32
      %add3A_189 = arith.addi %mul3A_187, %add3A_188 : i32
      %ge3A_190 = arith.constant 1 : i32
      %ge3A_191 = arith.cmpi sge, %add3A_189, %ge3A_190 : i32
      %convert_element_type3A_192 = arith.extui %ge3A_191 : i1 to i32
      %cond3A_193 = arith.constant 0 : i32
      %cond3A_194 = arith.cmpi ne, %convert_element_type3A_192, %cond3A_193 : i32
      scf.if %cond3A_194 {
        %dma_wait3A_282 = arith.constant 0 : i32
        %dma_wait3A_283 = arith.constant 0 : i32
        %dma_wait3A_284 = arith.constant 0 : i32
        %dma_wait3A_285 = tpu.memref_slice %arg10[%dma_wait3A_283, %dma_wait3A_284] : memref<400x128xf32, #tpu.memory_space<vmem>> -> memref<128x128xf32, #tpu.memory_space<vmem>>
        %dma_wait3A_286 = arith.constant 0 : i32
        %dma_wait3A_287 = tpu.memref_slice %arg8[%dma_wait3A_282, %dma_wait3A_286] : memref<48x128xi32, #tpu.memory_space<vmem>> -> memref<1x128xi32, #tpu.memory_space<vmem>>
        %dma_wait3A_288 = tpu.memref_squeeze %dma_wait3A_287 : memref<1x128xi32, #tpu.memory_space<vmem>> -> memref<128xi32, #tpu.memory_space<vmem>>
        %dma_wait3A_289 = arith.constant 0 : i32
        %dma_wait3A_290 = arith.constant 0 : i32
        %dma_wait3A_291 = tpu.memref_slice %arg12[%dma_wait3A_289, %dma_wait3A_290] : memref<128x128xf32, #tpu.memory_space<vmem_shared>> -> memref<128x128xf32, #tpu.memory_space<vmem_shared>>
        tpu.wait_indirect_dma semaphore(%arg15 : memref<!tpu.dma_semaphore, #tpu.memory_space<semaphore_mem>>) src(%dma_wait3A_285 : memref<128x128xf32, #tpu.memory_space<vmem>>) dst(%dma_wait3A_291 : memref<128x128xf32, #tpu.memory_space<vmem_shared>>)
        %dma_wait3A_292 = arith.constant 0 : i32
        %dma_wait3A_293 = arith.constant 128 : i32
        %dma_wait3A_294 = arith.constant 0 : i32
        %dma_wait3A_295 = tpu.memref_slice %arg10[%dma_wait3A_293, %dma_wait3A_294] : memref<400x128xf32, #tpu.memory_space<vmem>> -> memref<128x128xf32, #tpu.memory_space<vmem>>
        %dma_wait3A_296 = arith.constant 0 : i32
        %dma_wait3A_297 = tpu.memref_slice %arg8[%dma_wait3A_292, %dma_wait3A_296] : memref<48x128xi32, #tpu.memory_space<vmem>> -> memref<1x128xi32, #tpu.memory_space<vmem>>
        %dma_wait3A_298 = tpu.memref_squeeze %dma_wait3A_297 : memref<1x128xi32, #tpu.memory_space<vmem>> -> memref<128xi32, #tpu.memory_space<vmem>>
        %dma_wait3A_299 = arith.constant 0 : i32
        %dma_wait3A_300 = arith.constant 0 : i32
        %dma_wait3A_301 = tpu.memref_slice %arg12[%dma_wait3A_299, %dma_wait3A_300] : memref<128x128xf32, #tpu.memory_space<vmem_shared>> -> memref<128x128xf32, #tpu.memory_space<vmem_shared>>
        tpu.wait_indirect_dma semaphore(%arg15 : memref<!tpu.dma_semaphore, #tpu.memory_space<semaphore_mem>>) src(%dma_wait3A_295 : memref<128x128xf32, #tpu.memory_space<vmem>>) dst(%dma_wait3A_301 : memref<128x128xf32, #tpu.memory_space<vmem_shared>>)
        %dma_wait3A_302 = arith.constant 0 : i32
        %dma_wait3A_303 = arith.constant 256 : i32
        %dma_wait3A_304 = arith.constant 0 : i32
        %dma_wait3A_305 = tpu.memref_slice %arg10[%dma_wait3A_303, %dma_wait3A_304] : memref<400x128xf32, #tpu.memory_space<vmem>> -> memref<128x128xf32, #tpu.memory_space<vmem>>
        %dma_wait3A_306 = arith.constant 0 : i32
        %dma_wait3A_307 = tpu.memref_slice %arg8[%dma_wait3A_302, %dma_wait3A_306] : memref<48x128xi32, #tpu.memory_space<vmem>> -> memref<1x128xi32, #tpu.memory_space<vmem>>
        %dma_wait3A_308 = tpu.memref_squeeze %dma_wait3A_307 : memref<1x128xi32, #tpu.memory_space<vmem>> -> memref<128xi32, #tpu.memory_space<vmem>>
        %dma_wait3A_309 = arith.constant 0 : i32
        %dma_wait3A_310 = arith.constant 0 : i32
        %dma_wait3A_311 = tpu.memref_slice %arg12[%dma_wait3A_309, %dma_wait3A_310] : memref<128x128xf32, #tpu.memory_space<vmem_shared>> -> memref<128x128xf32, #tpu.memory_space<vmem_shared>>
        tpu.wait_indirect_dma semaphore(%arg15 : memref<!tpu.dma_semaphore, #tpu.memory_space<semaphore_mem>>) src(%dma_wait3A_305 : memref<128x128xf32, #tpu.memory_space<vmem>>) dst(%dma_wait3A_311 : memref<128x128xf32, #tpu.memory_space<vmem_shared>>)
        %dma_wait3A_312 = arith.constant 0 : i32
        %dma_wait3A_313 = arith.constant 384 : i32
        %dma_wait3A_314 = arith.constant 0 : i32
        %dma_wait3A_315 = tpu.memref_slice %arg10[%dma_wait3A_313, %dma_wait3A_314] : memref<400x128xf32, #tpu.memory_space<vmem>> -> memref<16x128xf32, #tpu.memory_space<vmem>>
        %dma_wait3A_316 = arith.constant 0 : i32
        %dma_wait3A_317 = tpu.memref_slice %arg9[%dma_wait3A_312, %dma_wait3A_316] : memref<16x16xi32, #tpu.memory_space<vmem>> -> memref<1x16xi32, #tpu.memory_space<vmem>>
        %dma_wait3A_318 = tpu.memref_squeeze %dma_wait3A_317 : memref<1x16xi32, #tpu.memory_space<vmem>> -> memref<16xi32, #tpu.memory_space<vmem>>
        %dma_wait3A_319 = arith.constant 0 : i32
        %dma_wait3A_320 = arith.constant 0 : i32
        %dma_wait3A_321 = tpu.memref_slice %arg12[%dma_wait3A_319, %dma_wait3A_320] : memref<128x128xf32, #tpu.memory_space<vmem_shared>> -> memref<128x128xf32, #tpu.memory_space<vmem_shared>>
        tpu.wait_indirect_dma semaphore(%arg15 : memref<!tpu.dma_semaphore, #tpu.memory_space<semaphore_mem>>) src(%dma_wait3A_315 : memref<16x128xf32, #tpu.memory_space<vmem>>) dst(%dma_wait3A_321 : memref<128x128xf32, #tpu.memory_space<vmem_shared>>)
      } else {
      }
      %add3A_195 = arith.constant 1 : i32
      %add3A_196 = arith.addi %add3A_189, %add3A_195 : i32
      %lt3A_197 = arith.constant 16 : i32
      %lt3A_198 = arith.cmpi slt, %add3A_196, %lt3A_197 : i32
      %convert_element_type3A_199 = arith.extui %lt3A_198 : i1 to i32
      %cond3A_200 = arith.constant 0 : i32
      %cond3A_201 = arith.cmpi ne, %convert_element_type3A_199, %cond3A_200 : i32
      scf.if %cond3A_201 {
        %add3A_282 = arith.constant 1 : i32
        %add3A_283 = arith.addi %add3A_189, %add3A_282 : i32
        %mul3A_284 = arith.constant 400 : i32
        %mul3A_285 = arith.muli %add3A_283, %mul3A_284 : i32
        %multiple_of3A_286 = tpu.assume_multiple %mul3A_285, 8 : i32
        %add3A_287 = arith.constant 0 : i32
        %add3A_288 = arith.addi %multiple_of3A_286, %add3A_287 : i32
        %dma_start3A_289 = arith.constant 0 : i32
        %dma_start3A_290 = arith.constant 0 : i32
        %dma_start3A_291 = tpu.memref_slice %arg10[%dma_start3A_289, %dma_start3A_290] : memref<400x128xf32, #tpu.memory_space<vmem>> -> memref<128x128xf32, #tpu.memory_space<vmem>>
        %dma_start3A_292 = tpu.memref_slice %arg7[%add3A_288] : memref<6400xi32, #tpu.memory_space<vmem>> -> memref<128xi32, #tpu.memory_space<vmem>>
        %dma_start3A_293 = arith.constant 0 : i32
        %dma_start3A_294 = arith.constant 0 : i32
        %dma_start3A_295 = tpu.memref_slice %arg3[%dma_start3A_293, %dma_start3A_294] : memref<100000x128xf32, #tpu.memory_space<hbm>> -> memref<100000x128xf32, #tpu.memory_space<hbm>>
        tpu.enqueue_indirect_dma source(%dma_start3A_295 : memref<100000x128xf32, #tpu.memory_space<hbm>>) target(%dma_start3A_291 : memref<128x128xf32, #tpu.memory_space<vmem>>) offsets(%dma_start3A_292 : memref<128xi32, #tpu.memory_space<vmem>>) semaphore(%arg13 : memref<!tpu.dma_semaphore, #tpu.memory_space<semaphore_mem>>)
        %add3A_296 = arith.constant 128 : i32
        %add3A_297 = arith.addi %multiple_of3A_286, %add3A_296 : i32
        %dma_start3A_298 = arith.constant 128 : i32
        %dma_start3A_299 = arith.constant 0 : i32
        %dma_start3A_300 = tpu.memref_slice %arg10[%dma_start3A_298, %dma_start3A_299] : memref<400x128xf32, #tpu.memory_space<vmem>> -> memref<128x128xf32, #tpu.memory_space<vmem>>
        %dma_start3A_301 = tpu.memref_slice %arg7[%add3A_297] : memref<6400xi32, #tpu.memory_space<vmem>> -> memref<128xi32, #tpu.memory_space<vmem>>
        %dma_start3A_302 = arith.constant 0 : i32
        %dma_start3A_303 = arith.constant 0 : i32
        %dma_start3A_304 = tpu.memref_slice %arg3[%dma_start3A_302, %dma_start3A_303] : memref<100000x128xf32, #tpu.memory_space<hbm>> -> memref<100000x128xf32, #tpu.memory_space<hbm>>
        tpu.enqueue_indirect_dma source(%dma_start3A_304 : memref<100000x128xf32, #tpu.memory_space<hbm>>) target(%dma_start3A_300 : memref<128x128xf32, #tpu.memory_space<vmem>>) offsets(%dma_start3A_301 : memref<128xi32, #tpu.memory_space<vmem>>) semaphore(%arg13 : memref<!tpu.dma_semaphore, #tpu.memory_space<semaphore_mem>>)
        %add3A_305 = arith.constant 256 : i32
        %add3A_306 = arith.addi %multiple_of3A_286, %add3A_305 : i32
        %dma_start3A_307 = arith.constant 256 : i32
        %dma_start3A_308 = arith.constant 0 : i32
        %dma_start3A_309 = tpu.memref_slice %arg10[%dma_start3A_307, %dma_start3A_308] : memref<400x128xf32, #tpu.memory_space<vmem>> -> memref<128x128xf32, #tpu.memory_space<vmem>>
        %dma_start3A_310 = tpu.memref_slice %arg7[%add3A_306] : memref<6400xi32, #tpu.memory_space<vmem>> -> memref<128xi32, #tpu.memory_space<vmem>>
        %dma_start3A_311 = arith.constant 0 : i32
        %dma_start3A_312 = arith.constant 0 : i32
        %dma_start3A_313 = tpu.memref_slice %arg3[%dma_start3A_311, %dma_start3A_312] : memref<100000x128xf32, #tpu.memory_space<hbm>> -> memref<100000x128xf32, #tpu.memory_space<hbm>>
        tpu.enqueue_indirect_dma source(%dma_start3A_313 : memref<100000x128xf32, #tpu.memory_space<hbm>>) target(%dma_start3A_309 : memref<128x128xf32, #tpu.memory_space<vmem>>) offsets(%dma_start3A_310 : memref<128xi32, #tpu.memory_space<vmem>>) semaphore(%arg13 : memref<!tpu.dma_semaphore, #tpu.memory_space<semaphore_mem>>)
        %add3A_314 = arith.constant 384 : i32
        %add3A_315 = arith.addi %multiple_of3A_286, %add3A_314 : i32
        %dma_start3A_316 = arith.constant 384 : i32
        %dma_start3A_317 = arith.constant 0 : i32
        %dma_start3A_318 = tpu.memref_slice %arg10[%dma_start3A_316, %dma_start3A_317] : memref<400x128xf32, #tpu.memory_space<vmem>> -> memref<16x128xf32, #tpu.memory_space<vmem>>
        %dma_start3A_319 = tpu.memref_slice %arg7[%add3A_315] : memref<6400xi32, #tpu.memory_space<vmem>> -> memref<16xi32, #tpu.memory_space<vmem>>
        %dma_start3A_320 = arith.constant 0 : i32
        %dma_start3A_321 = arith.constant 0 : i32
        %dma_start3A_322 = tpu.memref_slice %arg3[%dma_start3A_320, %dma_start3A_321] : memref<100000x128xf32, #tpu.memory_space<hbm>> -> memref<100000x128xf32, #tpu.memory_space<hbm>>
        tpu.enqueue_indirect_dma source(%dma_start3A_322 : memref<100000x128xf32, #tpu.memory_space<hbm>>) target(%dma_start3A_318 : memref<16x128xf32, #tpu.memory_space<vmem>>) offsets(%dma_start3A_319 : memref<16xi32, #tpu.memory_space<vmem>>) semaphore(%arg13 : memref<!tpu.dma_semaphore, #tpu.memory_space<semaphore_mem>>)
      } else {
      }
      %dma_wait3A_202 = arith.constant 0 : i32
      %dma_wait3A_203 = arith.constant 0 : i32
      %dma_wait3A_204 = tpu.memref_slice %arg11[%dma_wait3A_202, %dma_wait3A_203] : memref<400x128xf32, #tpu.memory_space<vmem>> -> memref<128x128xf32, #tpu.memory_space<vmem>>
      %dma_wait3A_205 = arith.constant 0 : i32
      %dma_wait3A_206 = tpu.memref_slice %arg7[%dma_wait3A_205] : memref<6400xi32, #tpu.memory_space<vmem>> -> memref<128xi32, #tpu.memory_space<vmem>>
      %dma_wait3A_207 = arith.constant 0 : i32
      %dma_wait3A_208 = arith.constant 0 : i32
      %dma_wait3A_209 = tpu.memref_slice %arg3[%dma_wait3A_207, %dma_wait3A_208] : memref<100000x128xf32, #tpu.memory_space<hbm>> -> memref<100000x128xf32, #tpu.memory_space<hbm>>
      tpu.wait_indirect_dma semaphore(%arg14 : memref<!tpu.dma_semaphore, #tpu.memory_space<semaphore_mem>>) src(%dma_wait3A_209 : memref<100000x128xf32, #tpu.memory_space<hbm>>) dst(%dma_wait3A_204 : memref<128x128xf32, #tpu.memory_space<vmem>>)
      %dma_wait3A_210 = arith.constant 128 : i32
      %dma_wait3A_211 = arith.constant 0 : i32
      %dma_wait3A_212 = tpu.memref_slice %arg11[%dma_wait3A_210, %dma_wait3A_211] : memref<400x128xf32, #tpu.memory_space<vmem>> -> memref<128x128xf32, #tpu.memory_space<vmem>>
      %dma_wait3A_213 = arith.constant 128 : i32
      %dma_wait3A_214 = tpu.memref_slice %arg7[%dma_wait3A_213] : memref<6400xi32, #tpu.memory_space<vmem>> -> memref<128xi32, #tpu.memory_space<vmem>>
      %dma_wait3A_215 = arith.constant 0 : i32
      %dma_wait3A_216 = arith.constant 0 : i32
      %dma_wait3A_217 = tpu.memref_slice %arg3[%dma_wait3A_215, %dma_wait3A_216] : memref<100000x128xf32, #tpu.memory_space<hbm>> -> memref<100000x128xf32, #tpu.memory_space<hbm>>
      tpu.wait_indirect_dma semaphore(%arg14 : memref<!tpu.dma_semaphore, #tpu.memory_space<semaphore_mem>>) src(%dma_wait3A_217 : memref<100000x128xf32, #tpu.memory_space<hbm>>) dst(%dma_wait3A_212 : memref<128x128xf32, #tpu.memory_space<vmem>>)
      %dma_wait3A_218 = arith.constant 256 : i32
      %dma_wait3A_219 = arith.constant 0 : i32
      %dma_wait3A_220 = tpu.memref_slice %arg11[%dma_wait3A_218, %dma_wait3A_219] : memref<400x128xf32, #tpu.memory_space<vmem>> -> memref<128x128xf32, #tpu.memory_space<vmem>>
      %dma_wait3A_221 = arith.constant 256 : i32
      %dma_wait3A_222 = tpu.memref_slice %arg7[%dma_wait3A_221] : memref<6400xi32, #tpu.memory_space<vmem>> -> memref<128xi32, #tpu.memory_space<vmem>>
      %dma_wait3A_223 = arith.constant 0 : i32
      %dma_wait3A_224 = arith.constant 0 : i32
      %dma_wait3A_225 = tpu.memref_slice %arg3[%dma_wait3A_223, %dma_wait3A_224] : memref<100000x128xf32, #tpu.memory_space<hbm>> -> memref<100000x128xf32, #tpu.memory_space<hbm>>
      tpu.wait_indirect_dma semaphore(%arg14 : memref<!tpu.dma_semaphore, #tpu.memory_space<semaphore_mem>>) src(%dma_wait3A_225 : memref<100000x128xf32, #tpu.memory_space<hbm>>) dst(%dma_wait3A_220 : memref<128x128xf32, #tpu.memory_space<vmem>>)
      %dma_wait3A_226 = arith.constant 384 : i32
      %dma_wait3A_227 = arith.constant 0 : i32
      %dma_wait3A_228 = tpu.memref_slice %arg11[%dma_wait3A_226, %dma_wait3A_227] : memref<400x128xf32, #tpu.memory_space<vmem>> -> memref<16x128xf32, #tpu.memory_space<vmem>>
      %dma_wait3A_229 = arith.constant 384 : i32
      %dma_wait3A_230 = tpu.memref_slice %arg7[%dma_wait3A_229] : memref<6400xi32, #tpu.memory_space<vmem>> -> memref<16xi32, #tpu.memory_space<vmem>>
      %dma_wait3A_231 = arith.constant 0 : i32
      %dma_wait3A_232 = arith.constant 0 : i32
      %dma_wait3A_233 = tpu.memref_slice %arg3[%dma_wait3A_231, %dma_wait3A_232] : memref<100000x128xf32, #tpu.memory_space<hbm>> -> memref<100000x128xf32, #tpu.memory_space<hbm>>
      tpu.wait_indirect_dma semaphore(%arg14 : memref<!tpu.dma_semaphore, #tpu.memory_space<semaphore_mem>>) src(%dma_wait3A_233 : memref<100000x128xf32, #tpu.memory_space<hbm>>) dst(%dma_wait3A_228 : memref<16x128xf32, #tpu.memory_space<vmem>>)
      %mul3A_234 = arith.constant 3 : i32
      %mul3A_235 = arith.muli %mul3A_234, %add3A_189 : i32
      %add3A_236 = arith.constant 0 : i32
      %add3A_237 = arith.addi %mul3A_235, %add3A_236 : i32
      %dma_start3A_238 = arith.constant 0 : i32
      %dma_start3A_239 = arith.constant 0 : i32
      %dma_start3A_240 = tpu.memref_slice %arg11[%dma_start3A_238, %dma_start3A_239] : memref<400x128xf32, #tpu.memory_space<vmem>> -> memref<128x128xf32, #tpu.memory_space<vmem>>
      %dma_start3A_241 = arith.constant 0 : i32
      %dma_start3A_242 = tpu.memref_slice %arg8[%add3A_237, %dma_start3A_241] : memref<48x128xi32, #tpu.memory_space<vmem>> -> memref<1x128xi32, #tpu.memory_space<vmem>>
      %dma_start3A_243 = tpu.memref_squeeze %dma_start3A_242 : memref<1x128xi32, #tpu.memory_space<vmem>> -> memref<128xi32, #tpu.memory_space<vmem>>
      %dma_start3A_244 = arith.constant 0 : i32
      %dma_start3A_245 = arith.constant 0 : i32
      %dma_start3A_246 = tpu.memref_slice %arg12[%dma_start3A_244, %dma_start3A_245] : memref<128x128xf32, #tpu.memory_space<vmem_shared>> -> memref<128x128xf32, #tpu.memory_space<vmem_shared>>
      tpu.enqueue_indirect_dma source(%dma_start3A_240 : memref<128x128xf32, #tpu.memory_space<vmem>>) target(%dma_start3A_246 : memref<128x128xf32, #tpu.memory_space<vmem_shared>>) offsets(%dma_start3A_243 : memref<128xi32, #tpu.memory_space<vmem>>) semaphore(%arg16 : memref<!tpu.dma_semaphore, #tpu.memory_space<semaphore_mem>>) {add = true}
      %mul3A_247 = arith.constant 3 : i32
      %mul3A_248 = arith.muli %mul3A_247, %add3A_189 : i32
      %add3A_249 = arith.constant 1 : i32
      %add3A_250 = arith.addi %mul3A_248, %add3A_249 : i32
      %dma_start3A_251 = arith.constant 128 : i32
      %dma_start3A_252 = arith.constant 0 : i32
      %dma_start3A_253 = tpu.memref_slice %arg11[%dma_start3A_251, %dma_start3A_252] : memref<400x128xf32, #tpu.memory_space<vmem>> -> memref<128x128xf32, #tpu.memory_space<vmem>>
      %dma_start3A_254 = arith.constant 0 : i32
      %dma_start3A_255 = tpu.memref_slice %arg8[%add3A_250, %dma_start3A_254] : memref<48x128xi32, #tpu.memory_space<vmem>> -> memref<1x128xi32, #tpu.memory_space<vmem>>
      %dma_start3A_256 = tpu.memref_squeeze %dma_start3A_255 : memref<1x128xi32, #tpu.memory_space<vmem>> -> memref<128xi32, #tpu.memory_space<vmem>>
      %dma_start3A_257 = arith.constant 0 : i32
      %dma_start3A_258 = arith.constant 0 : i32
      %dma_start3A_259 = tpu.memref_slice %arg12[%dma_start3A_257, %dma_start3A_258] : memref<128x128xf32, #tpu.memory_space<vmem_shared>> -> memref<128x128xf32, #tpu.memory_space<vmem_shared>>
      tpu.enqueue_indirect_dma source(%dma_start3A_253 : memref<128x128xf32, #tpu.memory_space<vmem>>) target(%dma_start3A_259 : memref<128x128xf32, #tpu.memory_space<vmem_shared>>) offsets(%dma_start3A_256 : memref<128xi32, #tpu.memory_space<vmem>>) semaphore(%arg16 : memref<!tpu.dma_semaphore, #tpu.memory_space<semaphore_mem>>) {add = true}
      %mul3A_260 = arith.constant 3 : i32
      %mul3A_261 = arith.muli %mul3A_260, %add3A_189 : i32
      %add3A_262 = arith.constant 2 : i32
      %add3A_263 = arith.addi %mul3A_261, %add3A_262 : i32
      %dma_start3A_264 = arith.constant 256 : i32
      %dma_start3A_265 = arith.constant 0 : i32
      %dma_start3A_266 = tpu.memref_slice %arg11[%dma_start3A_264, %dma_start3A_265] : memref<400x128xf32, #tpu.memory_space<vmem>> -> memref<128x128xf32, #tpu.memory_space<vmem>>
      %dma_start3A_267 = arith.constant 0 : i32
      %dma_start3A_268 = tpu.memref_slice %arg8[%add3A_263, %dma_start3A_267] : memref<48x128xi32, #tpu.memory_space<vmem>> -> memref<1x128xi32, #tpu.memory_space<vmem>>
      %dma_start3A_269 = tpu.memref_squeeze %dma_start3A_268 : memref<1x128xi32, #tpu.memory_space<vmem>> -> memref<128xi32, #tpu.memory_space<vmem>>
      %dma_start3A_270 = arith.constant 0 : i32
      %dma_start3A_271 = arith.constant 0 : i32
      %dma_start3A_272 = tpu.memref_slice %arg12[%dma_start3A_270, %dma_start3A_271] : memref<128x128xf32, #tpu.memory_space<vmem_shared>> -> memref<128x128xf32, #tpu.memory_space<vmem_shared>>
      tpu.enqueue_indirect_dma source(%dma_start3A_266 : memref<128x128xf32, #tpu.memory_space<vmem>>) target(%dma_start3A_272 : memref<128x128xf32, #tpu.memory_space<vmem_shared>>) offsets(%dma_start3A_269 : memref<128xi32, #tpu.memory_space<vmem>>) semaphore(%arg16 : memref<!tpu.dma_semaphore, #tpu.memory_space<semaphore_mem>>) {add = true}
      %dma_start3A_273 = arith.constant 384 : i32
      %dma_start3A_274 = arith.constant 0 : i32
      %dma_start3A_275 = tpu.memref_slice %arg11[%dma_start3A_273, %dma_start3A_274] : memref<400x128xf32, #tpu.memory_space<vmem>> -> memref<16x128xf32, #tpu.memory_space<vmem>>
      %dma_start3A_276 = arith.constant 0 : i32
      %dma_start3A_277 = tpu.memref_slice %arg9[%add3A_189, %dma_start3A_276] : memref<16x16xi32, #tpu.memory_space<vmem>> -> memref<1x16xi32, #tpu.memory_space<vmem>>
      %dma_start3A_278 = tpu.memref_squeeze %dma_start3A_277 : memref<1x16xi32, #tpu.memory_space<vmem>> -> memref<16xi32, #tpu.memory_space<vmem>>
      %dma_start3A_279 = arith.constant 0 : i32
      %dma_start3A_280 = arith.constant 0 : i32
      %dma_start3A_281 = tpu.memref_slice %arg12[%dma_start3A_279, %dma_start3A_280] : memref<128x128xf32, #tpu.memory_space<vmem_shared>> -> memref<128x128xf32, #tpu.memory_space<vmem_shared>>
      tpu.enqueue_indirect_dma source(%dma_start3A_275 : memref<16x128xf32, #tpu.memory_space<vmem>>) target(%dma_start3A_281 : memref<128x128xf32, #tpu.memory_space<vmem_shared>>) offsets(%dma_start3A_278 : memref<16xi32, #tpu.memory_space<vmem>>) semaphore(%arg16 : memref<!tpu.dma_semaphore, #tpu.memory_space<semaphore_mem>>) {add = true}
    }
    %scan3A_50 = arith.constant 8 : i32
    %dma_wait3A = arith.constant 0 : i32
    %dma_wait3A_51 = arith.constant 0 : i32
    %dma_wait3A_52 = arith.constant 0 : i32
    %dma_wait3A_53 = tpu.memref_slice %arg11[%dma_wait3A_51, %dma_wait3A_52] : memref<400x128xf32, #tpu.memory_space<vmem>> -> memref<128x128xf32, #tpu.memory_space<vmem>>
    %dma_wait3A_54 = arith.constant 0 : i32
    %dma_wait3A_55 = tpu.memref_slice %arg8[%dma_wait3A, %dma_wait3A_54] : memref<48x128xi32, #tpu.memory_space<vmem>> -> memref<1x128xi32, #tpu.memory_space<vmem>>
    %dma_wait3A_56 = tpu.memref_squeeze %dma_wait3A_55 : memref<1x128xi32, #tpu.memory_space<vmem>> -> memref<128xi32, #tpu.memory_space<vmem>>
    %dma_wait3A_57 = arith.constant 0 : i32
    %dma_wait3A_58 = arith.constant 0 : i32
    %dma_wait3A_59 = tpu.memref_slice %arg12[%dma_wait3A_57, %dma_wait3A_58] : memref<128x128xf32, #tpu.memory_space<vmem_shared>> -> memref<128x128xf32, #tpu.memory_space<vmem_shared>>
    tpu.wait_indirect_dma semaphore(%arg16 : memref<!tpu.dma_semaphore, #tpu.memory_space<semaphore_mem>>) src(%dma_wait3A_53 : memref<128x128xf32, #tpu.memory_space<vmem>>) dst(%dma_wait3A_59 : memref<128x128xf32, #tpu.memory_space<vmem_shared>>)
    %dma_wait3A_60 = arith.constant 0 : i32
    %dma_wait3A_61 = arith.constant 128 : i32
    %dma_wait3A_62 = arith.constant 0 : i32
    %dma_wait3A_63 = tpu.memref_slice %arg11[%dma_wait3A_61, %dma_wait3A_62] : memref<400x128xf32, #tpu.memory_space<vmem>> -> memref<128x128xf32, #tpu.memory_space<vmem>>
    %dma_wait3A_64 = arith.constant 0 : i32
    %dma_wait3A_65 = tpu.memref_slice %arg8[%dma_wait3A_60, %dma_wait3A_64] : memref<48x128xi32, #tpu.memory_space<vmem>> -> memref<1x128xi32, #tpu.memory_space<vmem>>
    %dma_wait3A_66 = tpu.memref_squeeze %dma_wait3A_65 : memref<1x128xi32, #tpu.memory_space<vmem>> -> memref<128xi32, #tpu.memory_space<vmem>>
    %dma_wait3A_67 = arith.constant 0 : i32
    %dma_wait3A_68 = arith.constant 0 : i32
    %dma_wait3A_69 = tpu.memref_slice %arg12[%dma_wait3A_67, %dma_wait3A_68] : memref<128x128xf32, #tpu.memory_space<vmem_shared>> -> memref<128x128xf32, #tpu.memory_space<vmem_shared>>
    tpu.wait_indirect_dma semaphore(%arg16 : memref<!tpu.dma_semaphore, #tpu.memory_space<semaphore_mem>>) src(%dma_wait3A_63 : memref<128x128xf32, #tpu.memory_space<vmem>>) dst(%dma_wait3A_69 : memref<128x128xf32, #tpu.memory_space<vmem_shared>>)
    %dma_wait3A_70 = arith.constant 0 : i32
    %dma_wait3A_71 = arith.constant 256 : i32
    %dma_wait3A_72 = arith.constant 0 : i32
    %dma_wait3A_73 = tpu.memref_slice %arg11[%dma_wait3A_71, %dma_wait3A_72] : memref<400x128xf32, #tpu.memory_space<vmem>> -> memref<128x128xf32, #tpu.memory_space<vmem>>
    %dma_wait3A_74 = arith.constant 0 : i32
    %dma_wait3A_75 = tpu.memref_slice %arg8[%dma_wait3A_70, %dma_wait3A_74] : memref<48x128xi32, #tpu.memory_space<vmem>> -> memref<1x128xi32, #tpu.memory_space<vmem>>
    %dma_wait3A_76 = tpu.memref_squeeze %dma_wait3A_75 : memref<1x128xi32, #tpu.memory_space<vmem>> -> memref<128xi32, #tpu.memory_space<vmem>>
    %dma_wait3A_77 = arith.constant 0 : i32
    %dma_wait3A_78 = arith.constant 0 : i32
    %dma_wait3A_79 = tpu.memref_slice %arg12[%dma_wait3A_77, %dma_wait3A_78] : memref<128x128xf32, #tpu.memory_space<vmem_shared>> -> memref<128x128xf32, #tpu.memory_space<vmem_shared>>
    tpu.wait_indirect_dma semaphore(%arg16 : memref<!tpu.dma_semaphore, #tpu.memory_space<semaphore_mem>>) src(%dma_wait3A_73 : memref<128x128xf32, #tpu.memory_space<vmem>>) dst(%dma_wait3A_79 : memref<128x128xf32, #tpu.memory_space<vmem_shared>>)
    %dma_wait3A_80 = arith.constant 0 : i32
    %dma_wait3A_81 = arith.constant 384 : i32
    %dma_wait3A_82 = arith.constant 0 : i32
    %dma_wait3A_83 = tpu.memref_slice %arg11[%dma_wait3A_81, %dma_wait3A_82] : memref<400x128xf32, #tpu.memory_space<vmem>> -> memref<16x128xf32, #tpu.memory_space<vmem>>
    %dma_wait3A_84 = arith.constant 0 : i32
    %dma_wait3A_85 = tpu.memref_slice %arg9[%dma_wait3A_80, %dma_wait3A_84] : memref<16x16xi32, #tpu.memory_space<vmem>> -> memref<1x16xi32, #tpu.memory_space<vmem>>
    %dma_wait3A_86 = tpu.memref_squeeze %dma_wait3A_85 : memref<1x16xi32, #tpu.memory_space<vmem>> -> memref<16xi32, #tpu.memory_space<vmem>>
    %dma_wait3A_87 = arith.constant 0 : i32
    %dma_wait3A_88 = arith.constant 0 : i32
    %dma_wait3A_89 = tpu.memref_slice %arg12[%dma_wait3A_87, %dma_wait3A_88] : memref<128x128xf32, #tpu.memory_space<vmem_shared>> -> memref<128x128xf32, #tpu.memory_space<vmem_shared>>
    tpu.wait_indirect_dma semaphore(%arg16 : memref<!tpu.dma_semaphore, #tpu.memory_space<semaphore_mem>>) src(%dma_wait3A_83 : memref<16x128xf32, #tpu.memory_space<vmem>>) dst(%dma_wait3A_89 : memref<128x128xf32, #tpu.memory_space<vmem_shared>>)
    %mul3A_90 = arith.constant 128 : i32
    %mul3A_91 = arith.muli %add3A, %mul3A_90 : i32
    %multiple_of3A_92 = tpu.assume_multiple %mul3A_91, 8 : i32
    "tpu.region"() ({
      %run_scoped3A = tpu.sem_alloc : memref<!tpu.dma_semaphore, #tpu.memory_space<semaphore_mem>>
      %dma_start3A_93 = arith.constant 0 : i32
      %dma_start3A_94 = tpu.memref_slice %arg6[%multiple_of3A_92, %dma_start3A_93] : memref<4096x128xf32, #tpu.memory_space<hbm>> -> memref<128x128xf32, #tpu.memory_space<hbm>>
      tpu.enqueue_dma source(%arg12 : memref<128x128xf32, #tpu.memory_space<vmem_shared>>) target(%dma_start3A_94 : memref<128x128xf32, #tpu.memory_space<hbm>>) target_semaphore(%run_scoped3A : memref<!tpu.dma_semaphore, #tpu.memory_space<semaphore_mem>>)
      %dma_wait3A_95 = arith.constant 0 : i32
      %dma_wait3A_96 = tpu.memref_slice %arg6[%multiple_of3A_92, %dma_wait3A_95] : memref<4096x128xf32, #tpu.memory_space<hbm>> -> memref<128x128xf32, #tpu.memory_space<hbm>>
      tpu.wait_dma2 semaphore(%run_scoped3A : memref<!tpu.dma_semaphore, #tpu.memory_space<semaphore_mem>>) src(%arg12 : memref<128x128xf32, #tpu.memory_space<vmem_shared>>) dst(%dma_wait3A_96 : memref<128x128xf32, #tpu.memory_space<hbm>>)
      tpu.yield
    }) : () -> ()
    return
  }
}

module attributes {stable_mosaic.version = 14 : i64} {
  func.func @_mlp_body(%arg0: i32, %arg1: memref<2048x128xf32, #tpu.memory_space<vmem>>, %arg2: memref<25x128xf32, #tpu.memory_space<vmem>>, %arg3: memref<1x25xf32, #tpu.memory_space<vmem>>, %arg4: memref<25x25xf32, #tpu.memory_space<vmem>>, %arg5: memref<1x25xf32, #tpu.memory_space<vmem>>, %arg6: memref<2x25xf32, #tpu.memory_space<vmem>>, %arg7: memref<1x2xf32, #tpu.memory_space<vmem>>, %arg8: memref<2048x2xf32, #tpu.memory_space<vmem>>) attributes {dimension_semantics = [#tpu.dimension_semantics<arbitrary>], iteration_bounds = array<i64: 2>, scalar_prefetch = 0 : i64, scratch_operands = 0 : i64, tpu.core_type = #tpu.core_type<tc>, window_params = [{transform_indices = @transform_0, window_bounds = array<i64: 2048, 128>}, {pipeline_mode = #tpu.pipeline_mode<synchronous>, transform_indices = @transform_1, window_bounds = array<i64: 25, 128>}, {pipeline_mode = #tpu.pipeline_mode<synchronous>, transform_indices = @transform_2, window_bounds = array<i64: 1, 25>}, {pipeline_mode = #tpu.pipeline_mode<synchronous>, transform_indices = @transform_3, window_bounds = array<i64: 25, 25>}, {pipeline_mode = #tpu.pipeline_mode<synchronous>, transform_indices = @transform_4, window_bounds = array<i64: 1, 25>}, {pipeline_mode = #tpu.pipeline_mode<synchronous>, transform_indices = @transform_5, window_bounds = array<i64: 2, 25>}, {pipeline_mode = #tpu.pipeline_mode<synchronous>, transform_indices = @transform_6, window_bounds = array<i64: 1, 2>}, {transform_indices = @transform_7, window_bounds = array<i64: 2048, 2>}]} {
    %get3A = arith.constant 0 : index
    %get3A_0 = arith.constant 0 : index
    %get3A_1 = vector.load %arg1[%get3A, %get3A_0] : memref<2048x128xf32, #tpu.memory_space<vmem>>, vector<2048x128xf32>
    %mul3A = arith.constant 2.000000e-02 : f32
    %mul3A_2 = vector.broadcast %mul3A : f32 to vector<2048x128xf32>
    %mul3A_3 = arith.mulf %get3A_1, %mul3A_2 : vector<2048x128xf32>
    %get3A_4 = arith.constant 0 : index
    %get3A_5 = arith.constant 0 : index
    %get3A_6 = vector.load %arg2[%get3A_4, %get3A_5] : memref<25x128xf32, #tpu.memory_space<vmem>>, vector<25x128xf32>
    %dot_general3A = arith.constant dense<0.000000e+00> : vector<2048x25xf32>
    %dot_general3A_7 = tpu.matmul %mul3A_3, %get3A_6, %dot_general3A {dimension_numbers = #tpu.dot_dimension_numbers<[1], [1], [0], [0], [0, 0, 1, 0], [], []>, transpose_lhs_hint = false} : vector<2048x128xf32>, vector<25x128xf32>, vector<2048x25xf32> -> vector<2048x25xf32>
    %get3A_8 = arith.constant 0 : index
    %get3A_9 = arith.constant 0 : index
    %get3A_10 = vector.load %arg3[%get3A_8, %get3A_9] : memref<1x25xf32, #tpu.memory_space<vmem>>, vector<1x25xf32>
    %add3A = vector.broadcast %get3A_10 : vector<1x25xf32> to vector<2048x25xf32>
    %add3A_11 = arith.addf %dot_general3A_7, %add3A : vector<2048x25xf32>
    %tanh3A = math.tanh %add3A_11 : vector<2048x25xf32>
    %get3A_12 = arith.constant 0 : index
    %get3A_13 = arith.constant 0 : index
    %get3A_14 = vector.load %arg4[%get3A_12, %get3A_13] : memref<25x25xf32, #tpu.memory_space<vmem>>, vector<25x25xf32>
    %dot_general3A_15 = arith.constant dense<0.000000e+00> : vector<2048x25xf32>
    %dot_general3A_16 = tpu.matmul %tanh3A, %get3A_14, %dot_general3A_15 {dimension_numbers = #tpu.dot_dimension_numbers<[1], [1], [0], [0], [0, 0, 1, 0], [], []>, transpose_lhs_hint = false} : vector<2048x25xf32>, vector<25x25xf32>, vector<2048x25xf32> -> vector<2048x25xf32>
    %get3A_17 = arith.constant 0 : index
    %get3A_18 = arith.constant 0 : index
    %get3A_19 = vector.load %arg5[%get3A_17, %get3A_18] : memref<1x25xf32, #tpu.memory_space<vmem>>, vector<1x25xf32>
    %add3A_20 = vector.broadcast %get3A_19 : vector<1x25xf32> to vector<2048x25xf32>
    %add3A_21 = arith.addf %dot_general3A_16, %add3A_20 : vector<2048x25xf32>
    %tanh3A_22 = math.tanh %add3A_21 : vector<2048x25xf32>
    %get3A_23 = arith.constant 0 : index
    %get3A_24 = arith.constant 0 : index
    %get3A_25 = vector.load %arg6[%get3A_23, %get3A_24] : memref<2x25xf32, #tpu.memory_space<vmem>>, vector<2x25xf32>
    %dot_general3A_26 = arith.constant dense<0.000000e+00> : vector<2048x2xf32>
    %dot_general3A_27 = tpu.matmul %tanh3A_22, %get3A_25, %dot_general3A_26 {dimension_numbers = #tpu.dot_dimension_numbers<[1], [1], [0], [0], [0, 0, 1, 0], [], []>, transpose_lhs_hint = false} : vector<2048x25xf32>, vector<2x25xf32>, vector<2048x2xf32> -> vector<2048x2xf32>
    %get3A_28 = arith.constant 0 : index
    %get3A_29 = arith.constant 0 : index
    %get3A_30 = vector.load %arg7[%get3A_28, %get3A_29] : memref<1x2xf32, #tpu.memory_space<vmem>>, vector<1x2xf32>
    %add3A_31 = vector.broadcast %get3A_30 : vector<1x2xf32> to vector<2048x2xf32>
    %add3A_32 = arith.addf %dot_general3A_27, %add3A_31 : vector<2048x2xf32>
    %tanh3A_33 = math.tanh %add3A_32 : vector<2048x2xf32>
    %slice3A = vector.extract_strided_slice %tanh3A_33 {offsets = [0, 0], sizes = [2048, 1], strides = [1, 1]} : vector<2048x2xf32> to vector<2048x1xf32>
    %slice3A_34 = vector.extract_strided_slice %tanh3A_33 {offsets = [0, 1], sizes = [2048, 1], strides = [1, 1]} : vector<2048x2xf32> to vector<2048x1xf32>
    %max3A = arith.maximumf %slice3A, %slice3A_34 : vector<2048x1xf32>
    %sub3A = arith.subf %slice3A, %slice3A_34 : vector<2048x1xf32>
    %ne3A = arith.cmpf one, %sub3A, %sub3A : vector<2048x1xf32>
    %add3A_35 = arith.addf %slice3A, %slice3A_34 : vector<2048x1xf32>
    %abs3A = math.absf %sub3A : vector<2048x1xf32>
    %neg3A = arith.constant 0.000000e+00 : f32
    %neg3A_36 = vector.broadcast %neg3A : f32 to vector<2048x1xf32>
    %neg3A_37 = arith.subf %neg3A_36, %abs3A : vector<2048x1xf32>
    %exp3A = math.exp %neg3A_37 : vector<2048x1xf32>
    %log1p3A = math.log1p %exp3A : vector<2048x1xf32>
    %add3A_38 = arith.addf %max3A, %log1p3A : vector<2048x1xf32>
    %select_n3A = arith.select %ne3A, %add3A_35, %add3A_38 : vector<2048x1xi1>, vector<2048x1xf32>
    %sub3A_39 = arith.subf %slice3A, %select_n3A : vector<2048x1xf32>
    %sub3A_40 = arith.subf %slice3A_34, %select_n3A : vector<2048x1xf32>
    %concatenate3A = tpu.concatenate %sub3A_39, %sub3A_40 in 1 : vector<2048x1xf32>, vector<2048x1xf32> -> vector<2048x2xf32>
    %swap3A = arith.constant 0 : index
    %swap3A_41 = arith.constant 0 : index
    %swap3A_42 = vector.load %arg8[%swap3A, %swap3A_41] : memref<2048x2xf32, #tpu.memory_space<vmem>>, vector<2048x2xf32>
    tpu.vector_store %arg8[%swap3A, %swap3A_41], %concatenate3A {strides = array<i32>} : memref<2048x2xf32, #tpu.memory_space<vmem>>, vector<2048x2xf32>,
    return
  }
  func.func @transform_0(%arg0: i32) -> (i32, i32) {
    %c0_i32 = arith.constant 0 : i32
    %c0_i32_0 = arith.constant 0 : i32
    return %arg0, %c0_i32 : i32, i32
  }
  func.func @transform_1(%arg0: i32) -> (i32, i32) {
    %c0_i32 = arith.constant 0 : i32
    %c0_i32_0 = arith.constant 0 : i32
    %c0_i32_1 = arith.constant 0 : i32
    return %c0_i32, %c0_i32_0 : i32, i32
  }
  func.func @transform_2(%arg0: i32) -> (i32, i32) {
    %c0_i32 = arith.constant 0 : i32
    %c0_i32_0 = arith.constant 0 : i32
    %c0_i32_1 = arith.constant 0 : i32
    return %c0_i32, %c0_i32_0 : i32, i32
  }
  func.func @transform_3(%arg0: i32) -> (i32, i32) {
    %c0_i32 = arith.constant 0 : i32
    %c0_i32_0 = arith.constant 0 : i32
    %c0_i32_1 = arith.constant 0 : i32
    return %c0_i32, %c0_i32_0 : i32, i32
  }
  func.func @transform_4(%arg0: i32) -> (i32, i32) {
    %c0_i32 = arith.constant 0 : i32
    %c0_i32_0 = arith.constant 0 : i32
    %c0_i32_1 = arith.constant 0 : i32
    return %c0_i32, %c0_i32_0 : i32, i32
  }
  func.func @transform_5(%arg0: i32) -> (i32, i32) {
    %c0_i32 = arith.constant 0 : i32
    %c0_i32_0 = arith.constant 0 : i32
    %c0_i32_1 = arith.constant 0 : i32
    return %c0_i32, %c0_i32_0 : i32, i32
  }
  func.func @transform_6(%arg0: i32) -> (i32, i32) {
    %c0_i32 = arith.constant 0 : i32
    %c0_i32_0 = arith.constant 0 : i32
    %c0_i32_1 = arith.constant 0 : i32
    return %c0_i32, %c0_i32_0 : i32, i32
  }
  func.func @transform_7(%arg0: i32) -> (i32, i32) {
    %c0_i32 = arith.constant 0 : i32
    %c0_i32_0 = arith.constant 0 : i32
    return %arg0, %c0_i32 : i32, i32
  }
}

</mosaic_0001>

<sc_bundles>
// kernel: kernel.4.cloned.1.call-start
scs
__scs_entry_jumppad:
0x0: {  	(pc) =	sbr.rel $0x88, $3  }
0x1: {  	(tag) =	ssettag $0x0;
	lr =	simm.s32 $0x1  }
0x2: {  	[smem:$0x3F99] =	sst lr;
	_ =	strace $0xD0000000  }
0x3: {  	_ = 	snop  }
0x4: {  	_ = 	snop  }
0x5: {  	_ = 	snop  }
0x6: {  	_ = 	snop  }
0x7: {  	_ = 	snop  }
__scs_overlays_trampoline_lowered:
0x8: {  	[smem:$0x3FA8] =	sst s0  }
0x9: {  	[smem:$0x3FA9] =	sst s1  }
0xa: {  	[smem:$0x3FAA] =	sst s2  }
0xb: {  	[smem:$0x3FAB] =	sst s3  }
0xc: {  	[smem:$0x3FAC] =	sst s4  }
0xd: {  	[smem:$0x3FAD] =	sst s5  }
0xe: {  	[smem:$0x3FAE] =	sst s6  }
0xf: {  	[smem:$0x3FAF] =	sst s7  }
0x10: {  	[smem:$0x3FB0] =	sst s8  }
0x11: {  	[smem:$0x3FB1] =	sst s9;
	s0 =	simm.s32 @!p0 $0x0  }
0x12: {  	s1 =	sld [smem:$0x3F97];
	s0 =	simm.s32 @p0 $0x1  }
0x13: {  	[smem:$0x3FB2] =	sst s0;
	s0 =	simm.s32 @!p1 $0x0  }
0x14: {  	s2 =	sld [smem:$0x3F96];
	s0 =	simm.s32 @p1 $0x1  }
0x15: {  	[smem:$0x3FB3] =	sst s0;
	s0 =	simm.s32 @!p2 $0x0  }
0x16: {  	s3 =	sld [smem:$0x3FDB];
	s0 =	simm.s32 @p2 $0x1  }
0x17: {  	s4 =	simm.s32 $0x1BF5;
	[smem:$0x3FB5] =	sst s0  }
0x18: {  	s0 =	sld [smem:$0x3F98];
	_ =	swait.ge [sflag:s4], $0x0  }
0x19: {  	s7 =	sld [smem:$0x3F99]  }
0x1a: {  	s8 =	sadd.s32 $0xFFFFE003, lr  }
0x1b: {  	s9 =	sadd.s32 $0xFFFFFEF7, lr;
	s5 =	simm.s32 $0xFFFFFFFF;
	p2 =	slt.u32 s8, $0xFFFFF086  }
0x1c: {  	p1 =	slt.u32 s9, $0xF7A;
	s5 =	simm.s32 @!p2 $0x0  }
0x1d: {  	s5 =	simm.s32 @p1 $0x1;
	p0 =	seq.s32 s7, s2  }
0x1e: {  	s7 =	smul.u32 @!p0 $0xF7A, s2;
	p2 =	seq.s32 @!p0 s5, $0x0  }
0x1f: {  	s9 =	smul.u32 $0xF7A, s1;
	s8 =	simm.s32 @!p0 $0x1BF5;
	p2 =	por !p2, p0  }
0x20: {  	[sflag:s8] =	ssyncset.s32 @!p0 $0xFFFFF086;
	s6 =	sadd.s32 @!p0 s3, s7;
	s7 =	simm.s32 @!p0 $0x108  }
0x21: {  	s3 =	sadd.s32 s3, s9;
	s6 =	sadd.s32 @!p0 $0x88, s6;
	s7 =	simm.s32 @p2 $0x1082  }
0x22: {  	[simem:s7], [sflag:s8] =	dma.local @!p0 [hbm:s6], $0xF7A  }
0x23: {  	s9 =	sor.u32 $0xD0000000, s2;
	s6 =	simm.s32 $0x108;
	_ =	swait.ge @!p0 [sflag:s8], $0x0  }
0x24: {  	s3 =	sadd.s32 $0x88, s3;
	s6 =	simm.s32 @!p1 $0x1082;
	[sflag:s4] =	ssyncset.s32 $0xFFFFF086  }
0x25: {  	[simem:s6], [sflag:s4] =	dma.local [hbm:s3], $0xF7A  }
0x26: {  	[smem:$0x3F99] =	sst s1;
	(tag) =	ssettag s2;
	_ =	strace s9  }
0x27: {  	s1 =	sld [smem:$0x3FA9]  }
0x28: {  	s2 =	sld [smem:$0x3FAA]  }
0x29: {  	s4 =	sld [smem:$0x3FAC]  }
0x2a: {  	p0 =	seq.s32 s5, $0x0;
	s5 =	sld [smem:$0x3FAD]  }
0x2b: {  	s6 =	sld [smem:$0x3FAE]  }
0x2c: {  	s7 =	sld [smem:$0x3FAF]  }
0x2d: {  	s3 =	simm.s32 $0x108;
	s8 =	sld [smem:$0x3FB0]  }
0x2e: {  	s3 =	simm.s32 @!p0 $0x1082;
	s9 =	sld [smem:$0x3FB1]  }
0x2f: {  	lr =	sadd.s32 s0, s3;
	s0 =	sld [smem:$0x3FA8]  }
0x30: {  	s3 =	sld [smem:$0x3FAB]  }
0x31: {  	[smem:$0x3FB4] =	sst s10  }
0x32: {  	s10 =	sld [smem:$0x3FB2];
	_ =	sdelay $0x3  }
0x33: {  	p0 =	seq.s32 s10, $0x1;
	s10 =	sld [smem:$0x3FB4];
	_ =	sdelay $0x3  }
0x34: {  	[smem:$0x3FB4] =	sst s10  }
0x35: {  	s10 =	sld [smem:$0x3FB3];
	_ =	sdelay $0x3  }
0x36: {  	p1 =	seq.s32 s10, $0x1;
	s10 =	sld [smem:$0x3FB4];
	_ =	sdelay $0x3  }
0x37: {  	[smem:$0x3FB4] =	sst s10  }
0x38: {  	s10 =	sld [smem:$0x3FB5]  }
0x39: {  	_ = 	snop;
	(pc) =	sbr.ind lr, $3  }
0x3a: {  	_ = 	snop  }
0x3b: {  	_ = 	snop  }
0x3c: {  	p2 =	seq.s32 s10, $0x1;
	s10 =	sld [smem:$0x3FB4]  }
0x3d: {  	_ =	shalt  }
0x3e: {  	_ =	shalt  }
0x3f: {  	_ =	shalt  }
0x40: {  	_ =	shalt  }
0x41: {  	_ =	shalt  }
0x42: {  	_ =	shalt  }
0x43: {  	_ =	shalt  }
0x44: {  	_ =	shalt  }
0x45: {  	_ =	shalt  }
0x46: {  	_ =	shalt  }
0x47: {  	_ =	shalt  }
0x48: {  	_ =	shalt  }
0x49: {  	_ =	shalt  }
0x4a: {  	_ =	shalt  }
0x4b: {  	_ =	shalt  }
0x4c: {  	_ =	shalt  }
0x4d: {  	_ =	shalt  }
0x4e: {  	_ =	shalt  }
0x4f: {  	_ =	shalt  }
0x50: {  	_ =	shalt  }
0x51: {  	_ =	shalt  }
0x52: {  	_ =	shalt  }
0x53: {  	_ =	shalt  }
0x54: {  	_ =	shalt  }
0x55: {  	_ =	shalt  }
0x56: {  	_ =	shalt  }
0x57: {  	_ =	shalt  }
0x58: {  	_ =	shalt  }
0x59: {  	_ =	shalt  }
0x5a: {  	_ =	shalt  }
0x5b: {  	_ =	shalt  }
0x5c: {  	_ =	shalt  }
0x5d: {  	_ =	shalt  }
0x5e: {  	_ =	shalt  }
0x5f: {  	_ =	shalt  }
0x60: {  	_ =	shalt  }
0x61: {  	_ =	shalt  }
0x62: {  	_ =	shalt  }
0x63: {  	_ =	shalt  }
0x64: {  	_ =	shalt  }
0x65: {  	_ =	shalt  }
0x66: {  	_ =	shalt  }
0x67: {  	_ =	shalt  }
0x68: {  	_ =	shalt  }
0x69: {  	_ =	shalt  }
0x6a: {  	_ =	shalt  }
0x6b: {  	_ =	shalt  }
0x6c: {  	_ =	shalt  }
0x6d: {  	_ =	shalt  }
0x6e: {  	_ =	shalt  }
0x6f: {  	_ =	shalt  }
0x70: {  	_ =	shalt  }
0x71: {  	_ =	shalt  }
0x72: {  	_ =	shalt  }
0x73: {  	_ =	shalt  }
0x74: {  	_ =	shalt  }
0x75: {  	_ =	shalt  }
0x76: {  	_ =	shalt  }
0x77: {  	_ =	shalt  }
0x78: {  	_ =	shalt  }
0x79: {  	_ =	shalt  }
0x7a: {  	_ =	shalt  }
0x7b: {  	_ =	shalt  }
0x7c: {  	_ =	shalt  }
0x7d: {  	_ =	shalt  }
0x7e: {  	_ =	shalt  }
0x7f: {  	_ =	shalt  }
0x80: {  	_ =	shalt  }
0x81: {  	_ =	shalt  }
0x82: {  	_ =	shalt  }
0x83: {  	_ =	shalt  }
0x84: {  	_ =	shalt  }
0x85: {  	_ =	shalt  }
0x86: {  	_ =	shalt  }
0x87: {  	_ =	shalt  }
.Lfunc_end0:
.L_simem_size_0:
called_computation_lowered:
.L_overlay_start_0:
0x88: {  	s2 =	sld [smem:$0x3FD9]  }
0x89: {  	s3 =	sld [smem:$0x3FFE];
	_ =	sdelay $0x1  }
0x8a: {  	s1 =	srdreg.scid  }
0x8b: {  	s0 =	sand.u32 $0x1, s1  }
0x8c: {  	s17 =	sshll.u32 s0, $0xA;
	s2 =	sadd.s32 s3, s2  }
0x8d: {  	s2 =	sadd.s32 s2, s17  }
0x8e: {  	[smem:$0x3FC0] =	sst s2  }
0x8f: {  	_ = 	snop  }
0x90: {  	s2 =	sld [smem:$0x3FC8]  }
0x91: {  	s18 =	sld [smem:$0x3FD0];
	(tm) =	ssettm $0x1  }
0x92: {  	s4 =	sld [smem:$0x3FFB];
	_ =	sdelay $0x3  }
0x93: {  	_ =	strace s4  }
0x94: {  	s4 =	sld [smem:$0x3FFC];
	_ =	sdelay $0x3  }
0x95: {  	_ =	strace s4  }
0x96: {  	s4 =	sld [smem:$0x3FFD];
	_ =	sdelay $0x3  }
0x97: {  	_ =	strace s4  }
0x98: {  	_ =	strace $0x8FFFFFFF  }
0x99: {  	s19 =	sld [smem:$0x3FDB];
	_ =	sdelay $0x1  }
0x9a: {  	s5 =	simm.s32 $_scs_section_size  }
0x9b: {  	s6 =	simm.s32 $_size__tile_overlayer_lowered;
	s7 =	simm.s32 $_tile_overlayer_lowered  }
0x9c: {  	s22 =	simm.s32 $0x1BFF;
	s21 =	sshll.u32 s7, $0x1;
	s4 =	sadd.s32 s5, s19  }
0x9d: {  	s8 =	simm.s32 $0x0;
	s20 =	sshll.u32 s6, $0x1;
	s6 =	sadd.s32 s21, s4  }
0x9e: {  	[timem:s8], [sflag:s22] =	dma.local [hbm:s6], s20  }
0x9f: {  	_ =	swait.ge [sflag:s22], s20  }
0xa0: {  	s5 =	ssub.s32 $0x0, s20;
	[sflag:s22] =	ssyncset.done $0x0  }
0xa1: {  	[sflag:s22] =	ssyncadd.s32 s5;
	_ =	sdelay $0x1  }
0xa2: {  	s23 =	simm.s32 $0x1B8B  }
0xa3: {  	_ =	swait.ge [sflag:s23], $0x1  }
0xa4: {  	[sflag:s23] =	ssyncset.done $0x0  }
0xa5: {  	s25 =	simm.s32 $0x1B8E;
	s24 =	sld [smem:$0x3FFE];
	[sflag:s23] =	ssyncadd.s32 $0xFFFFFFFF  }
0xa6: {  	s26 =	simm.s32 $execute0_lowered;
	[smem:$0x3FD2] =	sst s25  }
0xa7: {  	s6 =	sshll.u32 s26, $0x1;
	_ =	strace $0x80000046;
	[dreg:$0x1] =	wrdreg $0xFFFFFFFF  }
0xa8: {  	s28 =	simm.s32 $_size_execute0_lowered;
	s4 =	sadd.s32 s4, s6;
	[dreg:$0x0] =	wrdreg $0x0  }
0xa9: {  	s6 =	sshll.u32 s28, $0x1;
	[dreg:$0x2] =	wrdreg s4  }
0xaa: {  	[dreg:$0x3] =	wrdreg s6  }
0xab: {  	[dreg:$0x4] =	wrdreg $0xC0  }
0xac: {  	_ =	task [dreg:s8], $0x5FFFF  }
0xad: {  	[dreg:$0x1] =	wrdreg $0xFFFFFFFF  }
0xae: {  	[dreg:$0x0] =	wrdreg $0x60  }
0xaf: {  	[dreg:$0x2] =	wrdreg s24  }
0xb0: {  	[dreg:$0x3] =	wrdreg s2  }
0xb1: {  	[dreg:$0x4] =	wrdreg s18  }
0xb2: {  	[dreg:$0x5] =	wrdreg $0x1C9000  }
0xb3: {  	[dreg:$0x6] =	wrdreg $0x9  }
0xb4: {  	_ =	task.clear_ibuf [dreg:s8], $0x7FFFF;
	_ =	strace $0x90000046  }
0xb5: {  	s29 =	simm.s32 $0x9;
	_ =	strace $0x80000048  }
0xb6: {  	_ =	swait.ge [sflag:s29], $0x1  }
0xb7: {  	[sflag:s29] =	ssyncadd.s32 $0xFFFFFFFF  }
0xb8: {  	_ =	strace $0x90000048  }
0xb9: {  	_ =	sfence  }
0xba: {  	s30 =	sld [smem:$0x0];
	_ =	sdelay $0x2  }
0xbb: {  	s31 =	sshll.u32 s1, $0xD;
	s1 =	sshrl.u32 s1, $0x2  }
0xbc: {  	s3 =	sand.u32 $0x4000, s31;
	s1 =	sadd.s32 s1, s30  }
0xbd: {  	s0 =	sor.u32 s3, s0;
	s1 =	sshll.u32 s1, $0x11  }
0xbe: {  	s0 =	sor.u32 s1, s0  }
0xbf: {  	s0 =	sadd.s32 $0x8F2B, s0  }
0xc0: {  	[sflag:s0] =	ssyncadd.remote.s32 $0x1  }
0xc1: {  	_ =	sfence.sel $0xFFFF  }
0xc2: {  	[dreg:$0x0] =	wrdreg $0xFFFFFFFF;
	(pc) =	sbr.abs _section_cstart, $3  }
0xc3: {  	[dreg:$0x1] =	wrdreg $0xFFFFFFFF  }
0xc4: {  	_ =	task.clear_ibuf [dreg:s8], $0x2FFFF;
	_ =	strace $0x9FFFFFFF  }
0xc5: {  	(tm) =	ssettm $0x7FFFFFFF  }
tec
execute0_lowered:
.L_overlay_start_1:
0x0: {  	(tag) =	ssettag $0x1  }
0x1: {  	s0 =	rddreg [dreg:$0x0]  }
0x2: {  	s1 =	rddreg [dreg:$0x1];
	s2 =	srdreg.scid  }
0x3: {  	s3 =	stileid.u32;
	s4 =	rddreg [dreg:$0x3];
	s5 =	simm.s32 $0x0  }
0x4: {  	s10 =	simm.s32 $0x5;
	s11 =	simm.s32 $0x80;
	s12 =	simm.s32 $0x3900  }
0x5: {  	s13 =	simm.s32 $0x7900;
	s15 =	simm.s32 $0xB900;
	s16 =	simm.s32 $0x10  }
0x6: {  	s18 =	simm.s32 $0xF900;
	s21 =	simm.s32 $0x10100;
	s22 =	simm.s32 $0x14100  }
0x7: {  	s23 =	simm.s32 $0x18100;
	s24 =	simm.s32 $0x1C100;
	s25 =	simm.s32 $0x1  }
0x8: {  	s28 =	simm.s32 $0x2;
	s29 =	simm.s32 $0x4;
	s30 =	simm.s32 $0x0  }
0x9: {  	s2 =	sand.u32 $0x1, s2;
	s3 =	sshll.u32 s3, $0x1;
	[smem:$0x7FF] =	sst s5  }
0xa: {  	s26 =	sadd.s32 $0x7A00, s0;
	s3 =	sor.u32 s2, s3;
	_ =	strace $0x80000047  }
0xb: {  	s2 =	ssub.s32 $0x2, s2;
	[dreg:$0x5] =	wrdreg s26;
	s6 =	smul.u32 $0x320, s3  }
0xc: {  	s26 =	simm.s32 $0x3;
	s3 =	sshll.u32 s3, $0xB;
	s31 =	sshrl.u32 s2, $0x1  }
0xd: {  	s2 =	ssub.s32 s2, s31;
	s7 =	sadd.s32 s6, s0;
	s0 =	sadd.s32 s3, s0  }
0xe: {  	v0 =	vimm.f32 $0.0e+00;
	s9 =	smax.u32 s2, $0x1;
	s7 =	sadd.s32 $0x1600, s7;
	s8 =	sadd.s32 $0x7C00, s0  }
.LBB2_1:
0xf: {  	[tilespmem:s5], [sflag:$0x5] =	stream.linear.gather [hbm4b:s7+s5], $0x1900, $0x38;
	[tilespmem:$0x1CD00] =	vst v63  }
0x10: {  	_ =	swait.ge [sflag:s10], $0x1900  }
0x11: {  	[sflag:s10] =	ssyncset.done $0x0  }
0x12: {  	[sflag:s10] =	ssyncadd.s32 $0xFFFFE700  }
0x13: {  	[tilespmem:s12], [sflag:$0x1] =	stream.indirect.gather [hbm4b:s1+s11], $0x80, s5, s11, $0xb8;
	[tilespmem:$0x1CD00] =	vst v63  }
0x14: {  	_ = 	snop  }
0x15: {  	[tilespmem:s13], [sflag:$0x1] =	stream.indirect.gather [hbm4b:s1+s11], $0x80, s11, s11, $0xb8;
	[tilespmem:$0x1CD00] =	vst v63  }
0x16: {  	s0 =	simm.s32 $0x100  }
0x17: {  	[tilespmem:s15], [sflag:$0x1] =	stream.indirect.gather [hbm4b:s1+s11], $0x80, s0, s11, $0xb8;
	[tilespmem:$0x1CD00] =	vst v63  }
0x18: {  	s17 =	simm.s32 $0x180  }
0x19: {  	[tilespmem:s18], [sflag:$0x1] =	stream.indirect.gather [hbm4b:s1+s16], $0x80, s17, s16, $0xb8;
	[tilespmem:$0x1CD00] =	vst v63  }
0x1a: {  	s2 =	simm.s32 $0x1900;
	s19 =	rddreg [dreg:$0x2]  }
0x1b: {  	[tilespmem:s2], [sflag:$0x5] =	stream.linear.gather [hbm4b:s19+s5], $0x1800, $0x38;
	[tilespmem:$0x1CD00] =	vst v63  }
0x1c: {  	_ =	swait.ge [sflag:s10], $0x1800  }
0x1d: {  	[sflag:s10] =	ssyncset.done $0x0  }
0x1e: {  	s31 =	simm.s32 $0x3100;
	s20 =	rddreg [dreg:$0x5];
	[sflag:s10] =	ssyncadd.s32 $0xFFFFE800  }
0x1f: {  	[tilespmem:s31], [sflag:$0x5] =	stream.linear.gather [hbm4b:s20+s5], $0x800, $0x38;
	[tilespmem:$0x1CD00] =	vst v63  }
0x20: {  	_ =	swait.ge [sflag:s10], $0x800  }
0x21: {  	[sflag:s10] =	ssyncset.done $0x0  }
0x22: {  	s0 =	simm.s32 $0x0;
	s2 =	simm.s32 $0x200;
	[sflag:s10] =	ssyncadd.s32 $0xFFFFF800  }
.LBB2_2:
0x23: {  	p0 =	sne.s32 s2, $0xFE00;
	[tilespmem:s0+$0x10170] =	vst v0  }
0x24: {  	[tilespmem:s0+$0x10100] =	vst v0  }
0x25: {  	[tilespmem:s0+$0x10110] =	vst v0  }
.Ltmp0:
0x26: {  	[tilespmem:s0+$0x10120] =	vst v0;
	(pc) =	sbr.rel @p0 .LBB2_2-.Ltmp0, $4  }
0x27: {  	[tilespmem:s0+$0x10130] =	vst v0  }
0x28: {  	[tilespmem:s0+$0x10140] =	vst v0  }
0x29: {  	[tilespmem:s0+$0x10150] =	vst v0  }
0x2a: {  	[tilespmem:s0+$0x10160] =	vst v0;
	s0 =	sshra.s32 s2, $0x2;
	s2 =	sadd.s32 $0x200, s2  }
0x2b: {  	[tilespmem:s0+$0x10170] =	vst v0  }
0x2c: {  	[tilespmem:s0+$0x10100] =	vst v0  }
0x2d: {  	[tilespmem:s0+$0x10110] =	vst v0  }
0x2e: {  	[tilespmem:s0+$0x10120] =	vst v0  }
0x2f: {  	[tilespmem:s0+$0x10130] =	vst v0  }
0x30: {  	[tilespmem:s0+$0x10140] =	vst v0  }
0x31: {  	[tilespmem:s0+$0x10150] =	vst v0  }
0x32: {  	[tilespmem:s0+$0x10160] =	vst v0  }
0x33: {  	[spmem:s4] =	stream.linear.scatter [tilespmem:s21], [sflag:$0x5], $0x4000, $0x38;
	[tilespmem:$0x1CD00] =	vst v63  }
0x34: {  	p0 =	por $0x1, $0x1;
	_ =	swait.ge [sflag:s10], $0x4000  }
0x35: {  	p0 =	por p0, p0;
	[sflag:s10] =	ssyncset.done $0x0  }
0x36: {  	s0 =	simm.s32 @!p0 $0x4;
	[sflag:s10] =	ssyncadd.s32 $0xFFFFC000  }
0x37: {  	_ =	swait.ge @!p0 [sflag:s0], $0x4000  }
0x38: {  	[sflag:s0] =	ssyncset.done @!p0 $0x0  }
0x39: {  	[sflag:s0] =	ssyncadd.s32 @!p0 $0xFFFFC000  }
0x3a: {  	_ =	swait.ge @!p0 [sflag:s0], $0x4000  }
0x3b: {  	[sflag:s0] =	ssyncset.done @!p0 $0x0  }
0x3c: {  	[sflag:s0] =	ssyncadd.s32 @!p0 $0xFFFFC000  }
0x3d: {  	_ =	swait.ge @!p0 [sflag:s0], $0x4000  }
0x3e: {  	[sflag:s0] =	ssyncset.done @!p0 $0x0  }
0x3f: {  	[sflag:s0] =	ssyncadd.s32 @!p0 $0xFFFFC000  }
0x40: {  	_ =	swait.ge @!p0 [sflag:s0], $0x800  }
0x41: {  	[sflag:s0] =	ssyncset.done @!p0 $0x0  }
0x42: {  	s14 =	simm.s32 $0x190;
	[sflag:s0] =	ssyncadd.s32 @!p0 $0xFFFFF800  }
0x43: {  	[tilespmem:s21], [sflag:$0x2] =	stream.indirect.gather [hbm4b:s1+s11], $0x80, s14, s11, $0xb8;
	[tilespmem:$0x1CD00] =	vst v63  }
0x44: {  	s17 =	simm.s32 $0x210  }
0x45: {  	[tilespmem:s22], [sflag:$0x2] =	stream.indirect.gather [hbm4b:s1+s11], $0x80, s17, s11, $0xb8;
	[tilespmem:$0x1CD00] =	vst v63  }
0x46: {  	s19 =	simm.s32 $0x290  }
0x47: {  	[tilespmem:s23], [sflag:$0x2] =	stream.indirect.gather [hbm4b:s1+s11], $0x80, s19, s11, $0xb8;
	[tilespmem:$0x1CD00] =	vst v63  }
0x48: {  	s20 =	simm.s32 $0x310  }
0x49: {  	[tilespmem:s24], [sflag:$0x2] =	stream.indirect.gather [hbm4b:s1+s16], $0x80, s20, s16, $0xb8;
	[tilespmem:$0x1CD00] =	vst v63  }
0x4a: {  	_ =	swait.ge [sflag:s25], $0x4000  }
0x4b: {  	[sflag:s25] =	ssyncset.done $0x0  }
0x4c: {  	[sflag:s25] =	ssyncadd.s32 $0xFFFFC000  }
0x4d: {  	_ =	swait.ge [sflag:s25], $0x4000  }
0x4e: {  	[sflag:s25] =	ssyncset.done $0x0  }
0x4f: {  	[sflag:s25] =	ssyncadd.s32 $0xFFFFC000  }
0x50: {  	_ =	swait.ge [sflag:s25], $0x4000  }
0x51: {  	[sflag:s25] =	ssyncset.done $0x0  }
0x52: {  	[sflag:s25] =	ssyncadd.s32 $0xFFFFC000  }
0x53: {  	_ =	swait.ge [sflag:s25], $0x800  }
0x54: {  	[sflag:s25] =	ssyncset.done $0x0  }
0x55: {  	s2 =	simm.s32 $0x1900;
	[sflag:s25] =	ssyncadd.s32 $0xFFFFF800  }
0x56: {  	[spmem:s4] =	stream.indirect.scatter.add.f32 [tilespmem:s12], [sflag:$0x3], $0x80, s2, s11, $0xb8;
	[tilespmem:$0x1CD00] =	vst v63  }
0x57: {  	s3 =	simm.s32 $0x1980  }
0x58: {  	[spmem:s4] =	stream.indirect.scatter.add.f32 [tilespmem:s13], [sflag:$0x3], $0x80, s3, s11, $0xb8;
	[tilespmem:$0x1CD00] =	vst v63  }
0x59: {  	s6 =	simm.s32 $0x1A00  }
0x5a: {  	[spmem:s4] =	stream.indirect.scatter.add.f32 [tilespmem:s15], [sflag:$0x3], $0x80, s6, s11, $0xb8;
	[tilespmem:$0x1CD00] =	vst v63  }
0x5b: {  	s14 =	simm.s32 $0x3100  }
0x5c: {  	[spmem:s4] =	stream.indirect.scatter.add.f32 [tilespmem:s18], [sflag:$0x3], $0x80, s14, s16, $0xb8;
	[tilespmem:$0x1CD00] =	vst v63  }
0x5d: {  	_ =	swait.ge [sflag:s26], $0x4000  }
0x5e: {  	[sflag:s26] =	ssyncset.done $0x0  }
0x5f: {  	[sflag:s26] =	ssyncadd.s32 $0xFFFFC000  }
0x60: {  	_ =	swait.ge [sflag:s26], $0x4000  }
0x61: {  	[sflag:s26] =	ssyncset.done $0x0  }
0x62: {  	[sflag:s26] =	ssyncadd.s32 $0xFFFFC000  }
0x63: {  	_ =	swait.ge [sflag:s26], $0x4000  }
0x64: {  	[sflag:s26] =	ssyncset.done $0x0  }
0x65: {  	[sflag:s26] =	ssyncadd.s32 $0xFFFFC000  }
0x66: {  	p0 =	por $0x0, $0x0;
	_ =	swait.ge [sflag:s26], $0x800  }
0x67: {  	s0 =	simm.s32 @!p0 $0x3900;
	[sflag:s26] =	ssyncset.done $0x0  }
0x68: {  	s2 =	simm.s32 @!p0 $0x320;
	s3 =	simm.s32 @!p0 $0x80;
	[sflag:s26] =	ssyncadd.s32 $0xFFFFF800  }
0x69: {  	[tilespmem:s0], [sflag:$0x1] =	stream.indirect.gather @!p0 [hbm4b:s1+s3], $0x80, s2, s3, $0xb8;
	[tilespmem:$0x1CD00] =	vst v63  }
0x6a: {  	s0 =	simm.s32 @!p0 $0x3A0;
	s2 =	simm.s32 @!p0 $0x7900  }
0x6b: {  	[tilespmem:s2], [sflag:$0x1] =	stream.indirect.gather @!p0 [hbm4b:s1+s3], $0x80, s0, s3, $0xb8;
	[tilespmem:$0x1CD00] =	vst v63  }
0x6c: {  	s0 =	simm.s32 @!p0 $0x420;
	s2 =	simm.s32 @!p0 $0xB900  }
0x6d: {  	[tilespmem:s2], [sflag:$0x1] =	stream.indirect.gather @!p0 [hbm4b:s1+s3], $0x80, s0, s3, $0xb8;
	[tilespmem:$0x1CD00] =	vst v63  }
0x6e: {  	s0 =	simm.s32 @!p0 $0x4A0;
	s2 =	simm.s32 @!p0 $0x10;
	s3 =	simm.s32 @!p0 $0xF900  }
0x6f: {  	[tilespmem:s3], [sflag:$0x1] =	stream.indirect.gather @!p0 [hbm4b:s1+s2], $0x80, s0, s2, $0xb8;
	[tilespmem:$0x1CD00] =	vst v63  }
0x70: {  	_ =	swait.ge [sflag:s28], $0x4000  }
0x71: {  	[sflag:s28] =	ssyncset.done $0x0  }
0x72: {  	[sflag:s28] =	ssyncadd.s32 $0xFFFFC000  }
0x73: {  	_ =	swait.ge [sflag:s28], $0x4000  }
0x74: {  	[sflag:s28] =	ssyncset.done $0x0  }
0x75: {  	[sflag:s28] =	ssyncadd.s32 $0xFFFFC000  }
0x76: {  	_ =	swait.ge [sflag:s28], $0x4000  }
0x77: {  	[sflag:s28] =	ssyncset.done $0x0  }
0x78: {  	[sflag:s28] =	ssyncadd.s32 $0xFFFFC000  }
0x79: {  	_ =	swait.ge [sflag:s28], $0x800  }
0x7a: {  	p6 =	por $0x0, $0x0;
	s31 =	simm.s32 $0x3200;
	[sflag:s28] =	ssyncset.done $0x0  }
0x7b: {  	s17 =	simm.s32 $0x1A80;
	s19 =	simm.s32 $0x1B00;
	[sflag:s28] =	ssyncadd.s32 $0xFFFFF800  }
0x7c: {  	[spmem:s4] =	stream.indirect.scatter.add.f32 [tilespmem:s21], [sflag:$0x4], $0x80, s17, s11, $0xb8;
	[tilespmem:$0x1CD00] =	vst v63  }
0x7d: {  	s20 =	simm.s32 $0x1B80;
	s14 =	simm.s32 $0x1900;
	s3 =	simm.s32 $0xC80  }
0x7e: {  	[spmem:s4] =	stream.indirect.scatter.add.f32 [tilespmem:s22], [sflag:$0x4], $0x80, s19, s11, $0xb8;
	[tilespmem:$0x1CD00] =	vst v63  }
0x7f: {  	p0 =	por p6, p6;
	s0 =	simm.s32 $0x3180;
	s2 =	simm.s32 $0x1C00  }
0x80: {  	[spmem:s4] =	stream.indirect.scatter.add.f32 [tilespmem:s23], [sflag:$0x4], $0x80, s20, s11, $0xb8;
	[tilespmem:$0x1CD00] =	vst v63  }
.LBB2_4:
0x81: {  	[spmem:s4] =	stream.indirect.scatter.add.f32 [tilespmem:s24], [sflag:$0x4], $0x80, s0, s16, $0xb8;
	[tilespmem:$0x1CD00] =	vst v63  }
0x82: {  	s0 =	smov.u32 s14  }
0x83: {  	s14 =	sadd.s32 $0xC80, s14;
	s17 =	simm.s32 @!p0 $0x4;
	p2 =	seq.s32 s0, $0x0  }
0x84: {  	p1 =	sne.s32 s14, $0x6400;
	_ =	swait.ge @!p0 [sflag:s17], $0x4000  }
0x85: {  	[sflag:s17] =	ssyncset.done @!p0 $0x0  }
0x86: {  	[sflag:s17] =	ssyncadd.s32 @!p0 $0xFFFFC000  }
0x87: {  	_ =	swait.ge @!p0 [sflag:s17], $0x4000  }
0x88: {  	[sflag:s17] =	ssyncset.done @!p0 $0x0  }
0x89: {  	[sflag:s17] =	ssyncadd.s32 @!p0 $0xFFFFC000  }
0x8a: {  	_ =	swait.ge @!p0 [sflag:s17], $0x4000  }
0x8b: {  	[sflag:s17] =	ssyncset.done @!p0 $0x0  }
0x8c: {  	[sflag:s17] =	ssyncadd.s32 @!p0 $0xFFFFC000  }
0x8d: {  	_ =	swait.ge @!p0 [sflag:s17], $0x800  }
0x8e: {  	s19 =	sshra.s32 s3, $0x2;
	[sflag:s17] =	ssyncset.done @!p0 $0x0  }
0x8f: {  	[sflag:s17] =	ssyncadd.s32 @!p0 $0xFFFFF800;
	s17 =	sadd.s32 $0x190, s19;
	p0 =	por p2, p2  }
0x90: {  	[tilespmem:s21], [sflag:$0x2] =	stream.indirect.gather [hbm4b:s1+s11], $0x80, s17, s11, $0xb8;
	[tilespmem:$0x1CD00] =	vst v63  }
0x91: {  	s17 =	sadd.s32 $0x210, s19  }
0x92: {  	[tilespmem:s22], [sflag:$0x2] =	stream.indirect.gather [hbm4b:s1+s11], $0x80, s17, s11, $0xb8;
	[tilespmem:$0x1CD00] =	vst v63  }
0x93: {  	s17 =	sadd.s32 $0x290, s19  }
0x94: {  	[tilespmem:s23], [sflag:$0x2] =	stream.indirect.gather [hbm4b:s1+s11], $0x80, s17, s11, $0xb8;
	[tilespmem:$0x1CD00] =	vst v63  }
0x95: {  	s17 =	sadd.s32 $0x310, s19  }
0x96: {  	[tilespmem:s24], [sflag:$0x2] =	stream.indirect.gather [hbm4b:s1+s16], $0x80, s17, s16, $0xb8;
	[tilespmem:$0x1CD00] =	vst v63  }
0x97: {  	_ =	swait.ge [sflag:s25], $0x4000  }
0x98: {  	[sflag:s25] =	ssyncset.done $0x0  }
0x99: {  	[sflag:s25] =	ssyncadd.s32 $0xFFFFC000  }
0x9a: {  	_ =	swait.ge [sflag:s25], $0x4000  }
0x9b: {  	[sflag:s25] =	ssyncset.done $0x0  }
0x9c: {  	[sflag:s25] =	ssyncadd.s32 $0xFFFFC000  }
0x9d: {  	_ =	swait.ge [sflag:s25], $0x4000  }
0x9e: {  	[sflag:s25] =	ssyncset.done $0x0  }
0x9f: {  	[sflag:s25] =	ssyncadd.s32 $0xFFFFC000  }
0xa0: {  	_ =	swait.ge [sflag:s25], $0x800  }
0xa1: {  	[sflag:s25] =	ssyncset.done $0x0  }
0xa2: {  	[sflag:s25] =	ssyncadd.s32 $0xFFFFF800  }
0xa3: {  	[spmem:s4] =	stream.indirect.scatter.add.f32 [tilespmem:s12], [sflag:$0x3], $0x80, s2, s11, $0xb8;
	[tilespmem:$0x1CD00] =	vst v63  }
0xa4: {  	s17 =	sadd.s32 $0x80, s2  }
0xa5: {  	[spmem:s4] =	stream.indirect.scatter.add.f32 [tilespmem:s13], [sflag:$0x3], $0x80, s17, s11, $0xb8;
	[tilespmem:$0x1CD00] =	vst v63  }
0xa6: {  	s17 =	sadd.s32 $0x100, s2  }
0xa7: {  	[spmem:s4] =	stream.indirect.scatter.add.f32 [tilespmem:s15], [sflag:$0x3], $0x80, s17, s11, $0xb8;
	[tilespmem:$0x1CD00] =	vst v63  }
0xa8: {  	_ = 	snop  }
0xa9: {  	[spmem:s4] =	stream.indirect.scatter.add.f32 [tilespmem:s18], [sflag:$0x3], $0x80, s31, s16, $0xb8;
	[tilespmem:$0x1CD00] =	vst v63  }
0xaa: {  	_ =	swait.ge [sflag:s26], $0x4000  }
0xab: {  	[sflag:s26] =	ssyncset.done $0x0  }
0xac: {  	[sflag:s26] =	ssyncadd.s32 $0xFFFFC000  }
0xad: {  	_ =	swait.ge [sflag:s26], $0x4000  }
0xae: {  	[sflag:s26] =	ssyncset.done $0x0  }
0xaf: {  	[sflag:s26] =	ssyncadd.s32 $0xFFFFC000  }
0xb0: {  	_ =	swait.ge [sflag:s26], $0x4000  }
0xb1: {  	[sflag:s26] =	ssyncset.done $0x0  }
0xb2: {  	[sflag:s26] =	ssyncadd.s32 $0xFFFFC000  }
0xb3: {  	p2 =	seq.s32 s3, $0x5780;
	_ =	swait.ge [sflag:s26], $0x800  }
0xb4: {  	s3 =	sshra.s32 @!p2 s3, $0x2;
	s17 =	simm.s32 @!p2 $0x3900;
	[sflag:s26] =	ssyncset.done $0x0  }
0xb5: {  	s20 =	simm.s32 @!p2 $0x80;
	s19 =	sadd.s32 @!p2 $0x320, s3;
	[sflag:s26] =	ssyncadd.s32 $0xFFFFF800  }
0xb6: {  	[tilespmem:s17], [sflag:$0x1] =	stream.indirect.gather @!p2 [hbm4b:s1+s20], $0x80, s19, s20, $0xb8;
	[tilespmem:$0x1CD00] =	vst v63  }
0xb7: {  	s6 =	sadd.s32 @!p2 $0x420, s3;
	s17 =	sadd.s32 @!p2 $0x3A0, s3;
	s19 =	simm.s32 @!p2 $0x7900  }
0xb8: {  	[tilespmem:s19], [sflag:$0x1] =	stream.indirect.gather @!p2 [hbm4b:s1+s20], $0x80, s17, s20, $0xb8;
	[tilespmem:$0x1CD00] =	vst v63  }
0xb9: {  	s17 =	simm.s32 @!p2 $0xB900;
	s19 =	sadd.s32 @!p2 $0x4A0, s3;
	s3 =	smov.u32 s0  }
0xba: {  	[tilespmem:s17], [sflag:$0x1] =	stream.indirect.gather @!p2 [hbm4b:s1+s20], $0x80, s6, s20, $0xb8;
	[tilespmem:$0x1CD00] =	vst v63  }
0xbb: {  	s0 =	simm.s32 @!p2 $0x10;
	s6 =	simm.s32 @!p2 $0xF900  }
0xbc: {  	[tilespmem:s6], [sflag:$0x1] =	stream.indirect.gather @!p2 [hbm4b:s1+s0], $0x80, s19, s0, $0xb8;
	[tilespmem:$0x1CD00] =	vst v63  }
0xbd: {  	_ =	swait.ge [sflag:s28], $0x4000  }
0xbe: {  	[sflag:s28] =	ssyncset.done $0x0  }
0xbf: {  	[sflag:s28] =	ssyncadd.s32 $0xFFFFC000  }
0xc0: {  	_ =	swait.ge [sflag:s28], $0x4000  }
0xc1: {  	[sflag:s28] =	ssyncset.done $0x0  }
0xc2: {  	[sflag:s28] =	ssyncadd.s32 $0xFFFFC000  }
0xc3: {  	_ =	swait.ge [sflag:s28], $0x4000  }
0xc4: {  	[sflag:s28] =	ssyncset.done $0x0  }
0xc5: {  	[sflag:s28] =	ssyncadd.s32 $0xFFFFC000  }
0xc6: {  	_ =	swait.ge [sflag:s28], $0x800  }
0xc7: {  	[sflag:s28] =	ssyncset.done $0x0  }
0xc8: {  	s0 =	sadd.s32 $0x180, s2;
	[sflag:s28] =	ssyncadd.s32 $0xFFFFF800  }
0xc9: {  	[spmem:s4] =	stream.indirect.scatter.add.f32 [tilespmem:s21], [sflag:$0x4], $0x80, s0, s11, $0xb8;
	[tilespmem:$0x1CD00] =	vst v63  }
.Ltmp1:
0xca: {  	s0 =	sadd.s32 $0x200, s2;
	(pc) =	sbr.rel @p1 .LBB2_4-.Ltmp1, $4  }
0xcb: {  	[spmem:s4] =	stream.indirect.scatter.add.f32 [tilespmem:s22], [sflag:$0x4], $0x80, s0, s11, $0xb8;
	[tilespmem:$0x1CD00] =	vst v63  }
0xcc: {  	s0 =	sadd.s32 $0x280, s2  }
0xcd: {  	[spmem:s4] =	stream.indirect.scatter.add.f32 [tilespmem:s23], [sflag:$0x4], $0x80, s0, s11, $0xb8;
	[tilespmem:$0x1CD00] =	vst v63  }
0xce: {  	s2 =	sadd.s32 $0x300, s2;
	s0 =	sadd.s32 $0x80, s31;
	s31 =	sadd.s32 $0x100, s31  }
0xcf: {  	[spmem:s4] =	stream.indirect.scatter.add.f32 [tilespmem:s24], [sflag:$0x4], $0x80, s0, s16, $0xb8;
	[tilespmem:$0x1CD00] =	vst v63  }
0xd0: {  	s0 =	simm.s32 @!p0 $0x4  }
0xd1: {  	_ =	swait.ge @!p0 [sflag:s0], $0x4000  }
0xd2: {  	[sflag:s0] =	ssyncset.done @!p0 $0x0  }
0xd3: {  	[sflag:s0] =	ssyncadd.s32 @!p0 $0xFFFFC000  }
0xd4: {  	_ =	swait.ge @!p0 [sflag:s0], $0x4000  }
0xd5: {  	[sflag:s0] =	ssyncset.done @!p0 $0x0  }
0xd6: {  	[sflag:s0] =	ssyncadd.s32 @!p0 $0xFFFFC000  }
0xd7: {  	_ =	swait.ge @!p0 [sflag:s0], $0x4000  }
0xd8: {  	[sflag:s0] =	ssyncset.done @!p0 $0x0  }
0xd9: {  	[sflag:s0] =	ssyncadd.s32 @!p0 $0xFFFFC000  }
0xda: {  	_ =	swait.ge @!p0 [sflag:s0], $0x800  }
0xdb: {  	s6 =	sshra.s32 s3, $0x2;
	[sflag:s0] =	ssyncset.done @!p0 $0x0  }
0xdc: {  	s19 =	sadd.s32 $0x190, s6;
	[sflag:s0] =	ssyncadd.s32 @!p0 $0xFFFFF800  }
0xdd: {  	[tilespmem:s21], [sflag:$0x2] =	stream.indirect.gather [hbm4b:s1+s11], $0x80, s19, s11, $0xb8;
	[tilespmem:$0x1CD00] =	vst v63  }
0xde: {  	s20 =	sadd.s32 $0x210, s6  }
0xdf: {  	[tilespmem:s22], [sflag:$0x2] =	stream.indirect.gather [hbm4b:s1+s11], $0x80, s20, s11, $0xb8;
	[tilespmem:$0x1CD00] =	vst v63  }
0xe0: {  	s14 =	sadd.s32 $0x290, s6  }
0xe1: {  	[tilespmem:s23], [sflag:$0x2] =	stream.indirect.gather [hbm4b:s1+s11], $0x80, s14, s11, $0xb8;
	[tilespmem:$0x1CD00] =	vst v63  }
0xe2: {  	s17 =	sadd.s32 $0x310, s6  }
0xe3: {  	[tilespmem:s24], [sflag:$0x2] =	stream.indirect.gather [hbm4b:s1+s16], $0x80, s17, s16, $0xb8;
	[tilespmem:$0x1CD00] =	vst v63  }
0xe4: {  	_ =	swait.ge [sflag:s25], $0x4000  }
0xe5: {  	[sflag:s25] =	ssyncset.done $0x0  }
0xe6: {  	[sflag:s25] =	ssyncadd.s32 $0xFFFFC000  }
0xe7: {  	_ =	swait.ge [sflag:s25], $0x4000  }
0xe8: {  	[sflag:s25] =	ssyncset.done $0x0  }
0xe9: {  	[sflag:s25] =	ssyncadd.s32 $0xFFFFC000  }
0xea: {  	_ =	swait.ge [sflag:s25], $0x4000  }
0xeb: {  	[sflag:s25] =	ssyncset.done $0x0  }
0xec: {  	[sflag:s25] =	ssyncadd.s32 $0xFFFFC000  }
0xed: {  	_ =	swait.ge [sflag:s25], $0x800  }
0xee: {  	[sflag:s25] =	ssyncset.done $0x0  }
0xef: {  	[sflag:s25] =	ssyncadd.s32 $0xFFFFF800  }
0xf0: {  	[spmem:s4] =	stream.indirect.scatter.add.f32 [tilespmem:s12], [sflag:$0x3], $0x80, s2, s11, $0xb8;
	[tilespmem:$0x1CD00] =	vst v63  }
0xf1: {  	s19 =	sadd.s32 $0x80, s2  }
0xf2: {  	[spmem:s4] =	stream.indirect.scatter.add.f32 [tilespmem:s13], [sflag:$0x3], $0x80, s19, s11, $0xb8;
	[tilespmem:$0x1CD00] =	vst v63  }
0xf3: {  	s20 =	sadd.s32 $0x100, s2  }
0xf4: {  	[spmem:s4] =	stream.indirect.scatter.add.f32 [tilespmem:s15], [sflag:$0x3], $0x80, s20, s11, $0xb8;
	[tilespmem:$0x1CD00] =	vst v63  }
0xf5: {  	_ = 	snop  }
0xf6: {  	[spmem:s4] =	stream.indirect.scatter.add.f32 [tilespmem:s18], [sflag:$0x3], $0x80, s31, s16, $0xb8;
	[tilespmem:$0x1CD00] =	vst v63  }
0xf7: {  	_ =	swait.ge [sflag:s26], $0x4000  }
0xf8: {  	[sflag:s26] =	ssyncset.done $0x0  }
0xf9: {  	[sflag:s26] =	ssyncadd.s32 $0xFFFFC000  }
0xfa: {  	_ =	swait.ge [sflag:s26], $0x4000  }
0xfb: {  	[sflag:s26] =	ssyncset.done $0x0  }
0xfc: {  	[sflag:s26] =	ssyncadd.s32 $0xFFFFC000  }
0xfd: {  	_ =	swait.ge [sflag:s26], $0x4000  }
0xfe: {  	[sflag:s26] =	ssyncset.done $0x0  }
0xff: {  	[sflag:s26] =	ssyncadd.s32 $0xFFFFC000  }
0x100: {  	p0 =	seq.s32 s3, $0x5780;
	_ =	swait.ge [sflag:s26], $0x800  }
0x101: {  	s0 =	sshra.s32 @!p0 s3, $0x2;
	s3 =	simm.s32 @!p0 $0x3900;
	[sflag:s26] =	ssyncset.done $0x0  }
0x102: {  	s6 =	sadd.s32 @!p0 $0x320, s0;
	s14 =	simm.s32 @!p0 $0x80;
	[sflag:s26] =	ssyncadd.s32 $0xFFFFF800  }
0x103: {  	[tilespmem:s3], [sflag:$0x1] =	stream.indirect.gather @!p0 [hbm4b:s1+s14], $0x80, s6, s14, $0xb8;
	[tilespmem:$0x1CD00] =	vst v63  }
0x104: {  	s3 =	sadd.s32 @!p0 $0x3A0, s0;
	s6 =	simm.s32 @!p0 $0x7900  }
0x105: {  	[tilespmem:s6], [sflag:$0x1] =	stream.indirect.gather @!p0 [hbm4b:s1+s14], $0x80, s3, s14, $0xb8;
	[tilespmem:$0x1CD00] =	vst v63  }
0x106: {  	s3 =	sadd.s32 @!p0 $0x420, s0;
	s6 =	simm.s32 @!p0 $0xB900  }
0x107: {  	[tilespmem:s6], [sflag:$0x1] =	stream.indirect.gather @!p0 [hbm4b:s1+s14], $0x80, s3, s14, $0xb8;
	[tilespmem:$0x1CD00] =	vst v63  }
0x108: {  	s0 =	sadd.s32 @!p0 $0x4A0, s0;
	s3 =	simm.s32 @!p0 $0x10;
	s6 =	simm.s32 @!p0 $0xF900  }
0x109: {  	[tilespmem:s6], [sflag:$0x1] =	stream.indirect.gather @!p0 [hbm4b:s1+s3], $0x80, s0, s3, $0xb8;
	[tilespmem:$0x1CD00] =	vst v63  }
0x10a: {  	_ =	swait.ge [sflag:s28], $0x4000  }
0x10b: {  	[sflag:s28] =	ssyncset.done $0x0  }
0x10c: {  	[sflag:s28] =	ssyncadd.s32 $0xFFFFC000  }
0x10d: {  	_ =	swait.ge [sflag:s28], $0x4000  }
0x10e: {  	[sflag:s28] =	ssyncset.done $0x0  }
0x10f: {  	[sflag:s28] =	ssyncadd.s32 $0xFFFFC000  }
0x110: {  	_ =	swait.ge [sflag:s28], $0x4000  }
0x111: {  	[sflag:s28] =	ssyncset.done $0x0  }
0x112: {  	[sflag:s28] =	ssyncadd.s32 $0xFFFFC000  }
0x113: {  	_ =	swait.ge [sflag:s28], $0x800  }
0x114: {  	[sflag:s28] =	ssyncset.done $0x0  }
0x115: {  	s6 =	sadd.s32 $0x180, s2;
	[sflag:s28] =	ssyncadd.s32 $0xFFFFF800  }
0x116: {  	[spmem:s4] =	stream.indirect.scatter.add.f32 [tilespmem:s21], [sflag:$0x4], $0x80, s6, s11, $0xb8;
	[tilespmem:$0x1CD00] =	vst v63  }
0x117: {  	s14 =	sadd.s32 $0x200, s2  }
0x118: {  	[spmem:s4] =	stream.indirect.scatter.add.f32 [tilespmem:s22], [sflag:$0x4], $0x80, s14, s11, $0xb8;
	[tilespmem:$0x1CD00] =	vst v63  }
0x119: {  	s17 =	sadd.s32 $0x280, s2  }
0x11a: {  	[spmem:s4] =	stream.indirect.scatter.add.f32 [tilespmem:s23], [sflag:$0x4], $0x80, s17, s11, $0xb8;
	[tilespmem:$0x1CD00] =	vst v63  }
0x11b: {  	s19 =	sadd.s32 $0x80, s31  }
0x11c: {  	[spmem:s4] =	stream.indirect.scatter.add.f32 [tilespmem:s24], [sflag:$0x4], $0x80, s19, s16, $0xb8;
	[tilespmem:$0x1CD00] =	vst v63  }
0x11d: {  	_ =	swait.ge [sflag:s29], $0x4000  }
0x11e: {  	[sflag:s29] =	ssyncset.done $0x0  }
0x11f: {  	[sflag:s29] =	ssyncadd.s32 $0xFFFFC000  }
0x120: {  	_ =	swait.ge [sflag:s29], $0x4000  }
0x121: {  	[sflag:s29] =	ssyncset.done $0x0  }
0x122: {  	[sflag:s29] =	ssyncadd.s32 $0xFFFFC000  }
0x123: {  	_ =	swait.ge [sflag:s29], $0x4000  }
0x124: {  	[sflag:s29] =	ssyncset.done $0x0  }
0x125: {  	s30 =	sadd.s32 $0x1, s30;
	[sflag:s29] =	ssyncadd.s32 $0xFFFFC000  }
0x126: {  	s20 =	stileid.u32;
	s31 =	sshrl.u32 s4, $0x3;
	_ =	swait.ge [sflag:s29], $0x800  }
0x127: {  	s0 =	sshll.u32 s20, $0x6;
	p0 =	sne.s32 s30, s9;
	[sflag:s29] =	ssyncset.done $0x0  }
.Ltmp2:
0x128: {  	s0 =	sor.u32 $0x1C05, s0;
	[sflag:s29] =	ssyncadd.s32 $0xFFFFF800;
	(pc) =	sbr.rel @p0 .LBB2_1-.Ltmp2, $4  }
0x129: {  	[hbm:s8], [sflag:s0] =	dma.local [spmem:s31], $0x800  }
0x12a: {  	_ =	swait.ge [sflag:s10], $0x800  }
0x12b: {  	[sflag:s10] =	ssyncset.done $0x0  }
0x12c: {  	[sflag:s10] =	ssyncadd.s32 $0xFFFFF800  }
0x12d: {  	_ =	sfence.sel $0x180000  }
0x12e: {  	[bflag:$0x0] =	sbarrier.arrive $0xFFFF  }
0x12f: {  	_ =	strace $0x90000047  }
0x130: {  	s0 =	stileid.u32;
	[bflag:$0x2] =	sbarrier.arrive $0xFFFF  }
0x131: {  	p0 =	sne.s32 s0, $0x0;
	s0 =	rddreg [dreg:$0x4]  }
0x132: {  	s0 =	sadd.s32 @!p0 $0x100000, s0  }
0x133: {  	[sflag:s0] =	ssyncadd.tile.s32 @!p0 $0x1;
	_ =	shalt  }
.Lfunc_end2:
_tile_overlayer_lowered:
.L_overlay_start_2:
0x134: {  	(tag) =	ssettag $0x2  }
0x135: {  	s0 =	rddreg [dreg:$0x0];
	s2 =	stileid.u32  }
0x136: {  	s1 =	rddreg [dreg:$0x1];
	p0 =	sne.s32 s2, $0x0  }
0x137: {  	s3 =	rddreg [dreg:$0x2];
	[bflag:$0x3] =	sbarrier.arrive $0xFFFF;
	s2 =	simm.s32 @!p0 $0x1C05  }
0x138: {  	[timem:s3], [sflag:s2] =	dma.local @!p0 [hbm:s0], s1  }
0x139: {  	s0 =	simm.s32 @!p0 $0x5  }
0x13a: {  	_ =	swait.ge @!p0 [sflag:s0], s1  }
0x13b: {  	s1 =	ssub.s32 @!p0 $0x0, s1;
	[sflag:s0] =	ssyncset.done @!p0 $0x0  }
0x13c: {  	[sflag:s0] =	ssyncadd.s32 @!p0 s1  }
0x13d: {  	[bflag:$0x3] =	sbarrier.arrive $0xFFFF  }
0x13e: {  	_ =	shalt  }

</sc_bundles>
